<compile_context>
chip_gen: v7x
topology: tpu7x:2x2x1
jax: 0.10.2.dev20260603
libtpu: 0.0.44.dev20260713+nightly
codegen_flags: <defaults>
</compile_context>

<pallas_src>
import functools

import jax
import jax.numpy as jnp
from jax import lax
from jax.experimental import pallas as pl
from jax.experimental.pallas import tpu as pltpu
from jax.experimental.pallas import tpu_sc as plsc

NUM_CORES = 2
NUM_SUBCORES = 16
NW = NUM_CORES * NUM_SUBCORES
L = 16

CHUNK = 128
EPS = 1e-5


def _rsqrt(v):
    i = lax.bitcast_convert_type(v, jnp.int32)
    y = lax.bitcast_convert_type(jnp.int32(0x5F3759DF) - (i >> 1), jnp.float32)
    for _ in range(3):
        y = y * (1.5 - 0.5 * v * y * y)
    return y


def _make_kernel(n_rows, d, t_len, n_batch):
    rows_pw = n_rows // NW
    n_chunks = rows_pw // CHUNK
    nv = d // L

    mesh = plsc.VectorSubcoreMesh(
        core_axis_name="c", subcore_axis_name="s",
        num_cores=NUM_CORES, num_subcores=NUM_SUBCORES)

    @functools.partial(
        pl.kernel,
        out_type=jax.ShapeDtypeStruct((n_rows, d), jnp.float32),
        mesh=mesh,
        scratch_types=[
            pltpu.VMEM((2, CHUNK), jnp.int32),
            pltpu.VMEM((2, CHUNK), jnp.int32),
            pltpu.VMEM((2, CHUNK, 64), jnp.float32),
            pltpu.VMEM((2, CHUNK, 64), jnp.float32),
            pltpu.VMEM((t_len, d), jnp.float32),
            pltpu.VMEM((d,), jnp.float32),
            pltpu.VMEM((d,), jnp.float32),
            pltpu.SemaphoreType.DMA,
            pltpu.SemaphoreType.DMA,
            pltpu.SemaphoreType.DMA,
            pltpu.SemaphoreType.DMA,
        ],
        compiler_params=pltpu.CompilerParams(
            needs_layout_passes=False, use_tc_tiling_on_sc=False),
    )
    def emb_kernel(ids_hbm, tok_hbm, pos_hbm, gamma_hbm, beta_hbm, out_hbm,
                   idx_v, didx_v, gbuf, obuf, pos_v, g_v, b_v,
                   gsem0, gsem1, osem0, osem1):
        wid = lax.axis_index("s") * NUM_CORES + lax.axis_index("c")
        w_base = wid * rows_pw
        gsems = (gsem0, gsem1)
        osems = (osem0, osem1)
        iota200 = lax.iota(jnp.int32, L) * t_len

        pltpu.sync_copy(pos_hbm.at[pl.ds(0, t_len)], pos_v)
        pltpu.sync_copy(gamma_hbm, g_v)
        pltpu.sync_copy(beta_hbm, b_v)
        gs = [g_v[pl.ds(i * L, L)] for i in range(nv)]
        bs = [b_v[pl.ds(i * L, L)] for i in range(nv)]

        def stage_gather(c, s):
            pltpu.sync_copy(ids_hbm.at[pl.ds(w_base + c * CHUNK, CHUNK)],
                            idx_v.at[s])
            pltpu.async_copy(tok_hbm.at[idx_v.at[s]], gbuf.at[s], gsems[s])

        stage_gather(0, 0)
        stage_gather(1, 1)

        def chunk_body(c, s):
            f0 = w_base + c * CHUNK
            t = f0 >> 10
            b0 = f0 & (n_batch - 1)
            prow = [pos_v[t, pl.ds(i * L, L)] for i in range(nv)]

            pltpu.make_async_copy(
                tok_hbm.at[idx_v.at[s]], gbuf.at[s], gsems[s]).wait()

            @pl.when(c >= 2)
            def _():
                pltpu.make_async_copy(
                    obuf.at[s], out_hbm.at[didx_v.at[s]], osems[s]).wait()

            d0 = b0 * t_len + t
            for j in range(CHUNK // L):
                didx_v[s, pl.ds(j * L, L)] = iota200 + (d0 + j * L * t_len)

            def row_body(r, _):
                xs = []
                for i in range(nv):
                    xs.append(gbuf[s, r, pl.ds(i * L, L)] + prow[i])
                sv = xs[0]
                qv = xs[0] * xs[0]
                for x in xs[1:]:
                    sv = sv + x
                    qv = qv + x * x
                mean = jnp.sum(sv) * (1.0 / d)
                var = jnp.sum(qv) * (1.0 / d) - mean * mean
                rstd = _rsqrt(var + EPS)
                for i in range(nv):
                    obuf[s, r, pl.ds(i * L, L)] = \
                        (xs[i] - mean) * rstd * gs[i] + bs[i]
                return 0

            lax.fori_loop(0, CHUNK, row_body, 0)

            pltpu.async_copy(obuf.at[s], out_hbm.at[didx_v.at[s]], osems[s])

            @pl.when(c + 2 < n_chunks)
            def _():
                stage_gather(c + 2, s)
            return s

        def outer(it, _):
            chunk_body(it * 2, 0)
            chunk_body(it * 2 + 1, 1)
            return 0

        lax.fori_loop(0, n_chunks // 2, outer, 0)

        pltpu.make_async_copy(
            obuf.at[0], out_hbm.at[didx_v.at[0]], osems[0]).wait()
        pltpu.make_async_copy(
            obuf.at[1], out_hbm.at[didx_v.at[1]], osems[1]).wait()

    return emb_kernel


@jax.jit
def kernel(ids, token_table, pos_table, gamma, beta):
    b, t = ids.shape
    v, d = token_table.shape
    tok2 = jnp.pad(token_table, ((0, 0), (0, 64))).reshape(2 * v, d)
    ids2 = (ids.T.reshape(-1) * 2).astype(jnp.int32)
    emb = _make_kernel(b * t, d, t, b)
    out_flat = emb(ids2, tok2, pos_table, gamma, beta)
    return out_flat.reshape(b, t, d)

# --- scband reference (transcript-rebuilt; emitter-appended) ---
"""Pipeline reference for scband-embedding-block-2946347565092 (READ-ONLY COPY).

The authoritative reference and input builder live on the scoring server;
editing this copy changes nothing except your own understanding.
"""

import jax, jax.numpy as jnp
import numpy as np

VOCAB = 1000000
D_MODEL = 64
MAX_LEN = 256
B = 1024
T = 200


def setup_inputs(seed: int = 0) -> dict:
    key = jax.random.key(seed)
    k_ids, k_tok, k_pos, k_g, k_b = jax.random.split(key, 5)
    ids = jax.random.randint(k_ids, (B, T), 0, VOCAB, dtype=jnp.int64 if jax.config.jax_enable_x64 else jnp.int32)
    token_table = jax.random.normal(k_tok, (VOCAB, D_MODEL), dtype=jnp.float32)
    pos_table = jax.random.normal(k_pos, (MAX_LEN, D_MODEL), dtype=jnp.float32)
    gamma = jnp.ones((D_MODEL,), dtype=jnp.float32)
    beta = jnp.zeros((D_MODEL,), dtype=jnp.float32)
    return {"ids": ids, "token_table": token_table, "pos_table": pos_table, "gamma": gamma, "beta": beta}


def _layer_norm(x, gamma, beta, eps=1e-5):
    mean = jnp.mean(x, axis=-1, keepdims=True)
    var = jnp.var(x, axis=-1, keepdims=True)
    xn = (x - mean) / jnp.sqrt(var + eps)
    return xn * gamma + beta


def reference(ids, token_table, pos_table, gamma, beta):
    # token embedding lookup (gather)
    tok = jnp.take(token_table, ids, axis=0)  # [B, T, D]
    # positional embedding lookup
    pos_ids = jnp.arange(ids.shape[1])
    pos = jnp.take(pos_table, pos_ids, axis=0)[None, :, :]  # [1, T, D]
    x = tok + pos
    x = _layer_norm(x, gamma, beta)
    return x

if __name__ == "__main__":
    import jax
    _d = setup_inputs()
    print(jax.jit(kernel)(*tuple(_d.values())))

</pallas_src>

<mosaic_0001>
#map = affine_map<(d0, d1) -> (0)>
#map1 = affine_map<(d0, d1) -> (0, 0)>
module attributes {stable_mosaic.version = 14 : i64} {
  func.func @emb_kernel(%arg0: i32, %arg1: i32, %arg2: memref<204800xi32, #tpu.memory_space<hbm>>, %arg3: memref<2000000x64xf32, #tpu.memory_space<hbm>>, %arg4: memref<256x64xf32, #tpu.memory_space<hbm>>, %arg5: memref<64xf32, #tpu.memory_space<hbm>>, %arg6: memref<64xf32, #tpu.memory_space<hbm>>, %arg7: memref<204800x64xf32, #tpu.memory_space<hbm>>, %arg8: memref<2x128xi32, #tpu.memory_space<vmem>>, %arg9: memref<2x128xi32, #tpu.memory_space<vmem>>, %arg10: memref<2x128x64xf32, #tpu.memory_space<vmem>>, %arg11: memref<2x128x64xf32, #tpu.memory_space<vmem>>, %arg12: memref<200x64xf32, #tpu.memory_space<vmem>>, %arg13: memref<64xf32, #tpu.memory_space<vmem>>, %arg14: memref<64xf32, #tpu.memory_space<vmem>>, %arg15: memref<!tpu.dma_semaphore, #tpu.memory_space<semaphore_mem>>, %arg16: memref<!tpu.dma_semaphore, #tpu.memory_space<semaphore_mem>>, %arg17: memref<!tpu.dma_semaphore, #tpu.memory_space<semaphore_mem>>, %arg18: memref<!tpu.dma_semaphore, #tpu.memory_space<semaphore_mem>>) attributes {dimension_semantics = [#tpu.dimension_semantics<core_parallel>, #tpu.dimension_semantics<subcore_parallel>], iteration_bounds = array<i64: 2, 16>, scalar_prefetch = 0 : i64, scratch_operands = 11 : i64, tpu.core_type = #tpu.core_type<sc_vector_subcore>, window_params = [{transform_indices = #map}, {transform_indices = #map1}, {transform_indices = #map1}, {transform_indices = #map}, {transform_indices = #map}, {transform_indices = #map1}]} {
    %mul3A = arith.constant 2 : i32
    %mul3A_0 = arith.muli %arg1, %mul3A : i32
    %add3A = arith.addi %mul3A_0, %arg0 : i32
    %mul3A_1 = arith.constant 6400 : i32
    %mul3A_2 = arith.muli %add3A, %mul3A_1 : i32
    %iota3A = tpu.iota {dimensions = array<i32: 0>} : vector<16xi32>
    %mul3A_3 = arith.constant 200 : i32
    %mul3A_4 = vector.broadcast %mul3A_3 : i32 to vector<16xi32>
    %mul3A_5 = arith.muli %iota3A, %mul3A_4 : vector<16xi32>
    "tpu.region"() ({
      %run_scoped3A_78 = tpu.sem_alloc : memref<!tpu.dma_semaphore, #tpu.memory_space<semaphore_mem>>
      %dma_start3A_79 = arith.constant 0 : i32
      %dma_start3A_80 = arith.constant 0 : i32
      %dma_start3A_81 = tpu.memref_slice %arg4[%dma_start3A_79, %dma_start3A_80] : memref<256x64xf32, #tpu.memory_space<hbm>> -> memref<200x64xf32, #tpu.memory_space<hbm>>
      %dma_start3A_82 = arith.constant 0 : i32
      %dma_start3A_83 = arith.constant 0 : i32
      %dma_start3A_84 = tpu.memref_slice %arg4[%dma_start3A_82, %dma_start3A_83] : memref<256x64xf32, #tpu.memory_space<hbm>> -> memref<200x64xf32, #tpu.memory_space<hbm>>
      tpu.enqueue_dma source(%dma_start3A_84 : memref<200x64xf32, #tpu.memory_space<hbm>>) target(%arg12 : memref<200x64xf32, #tpu.memory_space<vmem>>) target_semaphore(%run_scoped3A_78 : memref<!tpu.dma_semaphore, #tpu.memory_space<semaphore_mem>>)
      %dma_wait3A_85 = arith.constant 0 : i32
      %dma_wait3A_86 = arith.constant 0 : i32
      %dma_wait3A_87 = tpu.memref_slice %arg4[%dma_wait3A_85, %dma_wait3A_86] : memref<256x64xf32, #tpu.memory_space<hbm>> -> memref<200x64xf32, #tpu.memory_space<hbm>>
      %dma_wait3A_88 = arith.constant 0 : i32
      %dma_wait3A_89 = arith.constant 0 : i32
      %dma_wait3A_90 = tpu.memref_slice %arg4[%dma_wait3A_88, %dma_wait3A_89] : memref<256x64xf32, #tpu.memory_space<hbm>> -> memref<200x64xf32, #tpu.memory_space<hbm>>
      tpu.wait_dma2 semaphore(%run_scoped3A_78 : memref<!tpu.dma_semaphore, #tpu.memory_space<semaphore_mem>>) src(%dma_wait3A_90 : memref<200x64xf32, #tpu.memory_space<hbm>>) dst(%arg12 : memref<200x64xf32, #tpu.memory_space<vmem>>)
      tpu.yield
    }) : () -> ()
    "tpu.region"() ({
      %run_scoped3A_78 = tpu.sem_alloc : memref<!tpu.dma_semaphore, #tpu.memory_space<semaphore_mem>>
      tpu.enqueue_dma source(%arg5 : memref<64xf32, #tpu.memory_space<hbm>>) target(%arg13 : memref<64xf32, #tpu.memory_space<vmem>>) target_semaphore(%run_scoped3A_78 : memref<!tpu.dma_semaphore, #tpu.memory_space<semaphore_mem>>)
      tpu.wait_dma2 semaphore(%run_scoped3A_78 : memref<!tpu.dma_semaphore, #tpu.memory_space<semaphore_mem>>) src(%arg5 : memref<64xf32, #tpu.memory_space<hbm>>) dst(%arg13 : memref<64xf32, #tpu.memory_space<vmem>>)
      tpu.yield
    }) : () -> ()
    "tpu.region"() ({
      %run_scoped3A_78 = tpu.sem_alloc : memref<!tpu.dma_semaphore, #tpu.memory_space<semaphore_mem>>
      tpu.enqueue_dma source(%arg6 : memref<64xf32, #tpu.memory_space<hbm>>) target(%arg14 : memref<64xf32, #tpu.memory_space<vmem>>) target_semaphore(%run_scoped3A_78 : memref<!tpu.dma_semaphore, #tpu.memory_space<semaphore_mem>>)
      tpu.wait_dma2 semaphore(%run_scoped3A_78 : memref<!tpu.dma_semaphore, #tpu.memory_space<semaphore_mem>>) src(%arg6 : memref<64xf32, #tpu.memory_space<hbm>>) dst(%arg14 : memref<64xf32, #tpu.memory_space<vmem>>)
      tpu.yield
    }) : () -> ()
    %get3A = arith.constant 0 : index
    %get3A_6 = tpu.vector_load %arg13[%get3A] {strides = array<i32>} : memref<64xf32, #tpu.memory_space<vmem>>, vector<16xf32>,
    %get3A_7 = arith.constant 16 : index
    %get3A_8 = tpu.vector_load %arg13[%get3A_7] {strides = array<i32>} : memref<64xf32, #tpu.memory_space<vmem>>, vector<16xf32>,
    %get3A_9 = arith.constant 32 : index
    %get3A_10 = tpu.vector_load %arg13[%get3A_9] {strides = array<i32>} : memref<64xf32, #tpu.memory_space<vmem>>, vector<16xf32>,
    %get3A_11 = arith.constant 48 : index
    %get3A_12 = tpu.vector_load %arg13[%get3A_11] {strides = array<i32>} : memref<64xf32, #tpu.memory_space<vmem>>, vector<16xf32>,
    %get3A_13 = arith.constant 0 : index
    %get3A_14 = tpu.vector_load %arg14[%get3A_13] {strides = array<i32>} : memref<64xf32, #tpu.memory_space<vmem>>, vector<16xf32>,
    %get3A_15 = arith.constant 16 : index
    %get3A_16 = tpu.vector_load %arg14[%get3A_15] {strides = array<i32>} : memref<64xf32, #tpu.memory_space<vmem>>, vector<16xf32>,
    %get3A_17 = arith.constant 32 : index
    %get3A_18 = tpu.vector_load %arg14[%get3A_17] {strides = array<i32>} : memref<64xf32, #tpu.memory_space<vmem>>, vector<16xf32>,
    %get3A_19 = arith.constant 48 : index
    %get3A_20 = tpu.vector_load %arg14[%get3A_19] {strides = array<i32>} : memref<64xf32, #tpu.memory_space<vmem>>, vector<16xf32>,
    %add3A_21 = arith.constant 0 : i32
    %add3A_22 = arith.addi %mul3A_2, %add3A_21 : i32
    %run_scoped3A = arith.constant 0 : i32
    "tpu.region"() ({
      %run_scoped3A_78 = tpu.sem_alloc : memref<!tpu.dma_semaphore, #tpu.memory_space<semaphore_mem>>
      %dma_start3A_79 = arith.constant 0 : i32
      %dma_start3A_80 = tpu.memref_slice %arg8[%run_scoped3A, %dma_start3A_79] : memref<2x128xi32, #tpu.memory_space<vmem>> -> memref<1x128xi32, #tpu.memory_space<vmem>>
      %dma_start3A_81 = tpu.memref_squeeze %dma_start3A_80 : memref<1x128xi32, #tpu.memory_space<vmem>> -> memref<128xi32, #tpu.memory_space<vmem>>
      %dma_start3A_82 = tpu.memref_slice %arg2[%add3A_22] : memref<204800xi32, #tpu.memory_space<hbm>> -> memref<128xi32, #tpu.memory_space<hbm>>
      %dma_start3A_83 = arith.constant 0 : i32
      %dma_start3A_84 = tpu.memref_slice %arg8[%run_scoped3A, %dma_start3A_83] : memref<2x128xi32, #tpu.memory_space<vmem>> -> memref<1x128xi32, #tpu.memory_space<vmem>>
      %dma_start3A_85 = tpu.memref_squeeze %dma_start3A_84 : memref<1x128xi32, #tpu.memory_space<vmem>> -> memref<128xi32, #tpu.memory_space<vmem>>
      %dma_start3A_86 = tpu.memref_slice %arg2[%add3A_22] : memref<204800xi32, #tpu.memory_space<hbm>> -> memref<128xi32, #tpu.memory_space<hbm>>
      tpu.enqueue_dma source(%dma_start3A_86 : memref<128xi32, #tpu.memory_space<hbm>>) target(%dma_start3A_85 : memref<128xi32, #tpu.memory_space<vmem>>) target_semaphore(%run_scoped3A_78 : memref<!tpu.dma_semaphore, #tpu.memory_space<semaphore_mem>>)
      %dma_wait3A_87 = arith.constant 0 : i32
      %dma_wait3A_88 = tpu.memref_slice %arg8[%run_scoped3A, %dma_wait3A_87] : memref<2x128xi32, #tpu.memory_space<vmem>> -> memref<1x128xi32, #tpu.memory_space<vmem>>
      %dma_wait3A_89 = tpu.memref_squeeze %dma_wait3A_88 : memref<1x128xi32, #tpu.memory_space<vmem>> -> memref<128xi32, #tpu.memory_space<vmem>>
      %dma_wait3A_90 = tpu.memref_slice %arg2[%add3A_22] : memref<204800xi32, #tpu.memory_space<hbm>> -> memref<128xi32, #tpu.memory_space<hbm>>
      %dma_wait3A_91 = arith.constant 0 : i32
      %dma_wait3A_92 = tpu.memref_slice %arg8[%run_scoped3A, %dma_wait3A_91] : memref<2x128xi32, #tpu.memory_space<vmem>> -> memref<1x128xi32, #tpu.memory_space<vmem>>
      %dma_wait3A_93 = tpu.memref_squeeze %dma_wait3A_92 : memref<1x128xi32, #tpu.memory_space<vmem>> -> memref<128xi32, #tpu.memory_space<vmem>>
      %dma_wait3A_94 = tpu.memref_slice %arg2[%add3A_22] : memref<204800xi32, #tpu.memory_space<hbm>> -> memref<128xi32, #tpu.memory_space<hbm>>
      tpu.wait_dma2 semaphore(%run_scoped3A_78 : memref<!tpu.dma_semaphore, #tpu.memory_space<semaphore_mem>>) src(%dma_wait3A_94 : memref<128xi32, #tpu.memory_space<hbm>>) dst(%dma_wait3A_93 : memref<128xi32, #tpu.memory_space<vmem>>)
      tpu.yield
    }) : () -> ()
    %dma_start3A = arith.constant 0 : i32
    %dma_start3A_23 = arith.constant 0 : i32
    %dma_start3A_24 = arith.constant 0 : i32
    %dma_start3A_25 = arith.constant 0 : i32
    %dma_start3A_26 = tpu.memref_slice %arg10[%dma_start3A_23, %dma_start3A_24, %dma_start3A_25] : memref<2x128x64xf32, #tpu.memory_space<vmem>> -> memref<1x128x64xf32, #tpu.memory_space<vmem>>
    %dma_start3A_27 = tpu.memref_squeeze %dma_start3A_26 : memref<1x128x64xf32, #tpu.memory_space<vmem>> -> memref<128x64xf32, #tpu.memory_space<vmem>>
    %dma_start3A_28 = arith.constant 0 : i32
    %dma_start3A_29 = tpu.memref_slice %arg8[%dma_start3A, %dma_start3A_28] : memref<2x128xi32, #tpu.memory_space<vmem>> -> memref<1x128xi32, #tpu.memory_space<vmem>>
    %dma_start3A_30 = tpu.memref_squeeze %dma_start3A_29 : memref<1x128xi32, #tpu.memory_space<vmem>> -> memref<128xi32, #tpu.memory_space<vmem>>
    %dma_start3A_31 = arith.constant 0 : i32
    %dma_start3A_32 = arith.constant 0 : i32
    %dma_start3A_33 = tpu.memref_slice %arg3[%dma_start3A_31, %dma_start3A_32] : memref<2000000x64xf32, #tpu.memory_space<hbm>> -> memref<2000000x64xf32, #tpu.memory_space<hbm>>
    tpu.enqueue_indirect_dma source(%dma_start3A_33 : memref<2000000x64xf32, #tpu.memory_space<hbm>>) target(%dma_start3A_27 : memref<128x64xf32, #tpu.memory_space<vmem>>) offsets(%dma_start3A_30 : memref<128xi32, #tpu.memory_space<vmem>>) semaphore(%arg15 : memref<!tpu.dma_semaphore, #tpu.memory_space<semaphore_mem>>)
    %add3A_34 = arith.constant 128 : i32
    %add3A_35 = arith.addi %mul3A_2, %add3A_34 : i32
    %run_scoped3A_36 = arith.constant 1 : i32
    "tpu.region"() ({
      %run_scoped3A_78 = tpu.sem_alloc : memref<!tpu.dma_semaphore, #tpu.memory_space<semaphore_mem>>
      %dma_start3A_79 = arith.constant 0 : i32
      %dma_start3A_80 = tpu.memref_slice %arg8[%run_scoped3A_36, %dma_start3A_79] : memref<2x128xi32, #tpu.memory_space<vmem>> -> memref<1x128xi32, #tpu.memory_space<vmem>>
      %dma_start3A_81 = tpu.memref_squeeze %dma_start3A_80 : memref<1x128xi32, #tpu.memory_space<vmem>> -> memref<128xi32, #tpu.memory_space<vmem>>
      %dma_start3A_82 = tpu.memref_slice %arg2[%add3A_35] : memref<204800xi32, #tpu.memory_space<hbm>> -> memref<128xi32, #tpu.memory_space<hbm>>
      %dma_start3A_83 = arith.constant 0 : i32
      %dma_start3A_84 = tpu.memref_slice %arg8[%run_scoped3A_36, %dma_start3A_83] : memref<2x128xi32, #tpu.memory_space<vmem>> -> memref<1x128xi32, #tpu.memory_space<vmem>>
      %dma_start3A_85 = tpu.memref_squeeze %dma_start3A_84 : memref<1x128xi32, #tpu.memory_space<vmem>> -> memref<128xi32, #tpu.memory_space<vmem>>
      %dma_start3A_86 = tpu.memref_slice %arg2[%add3A_35] : memref<204800xi32, #tpu.memory_space<hbm>> -> memref<128xi32, #tpu.memory_space<hbm>>
      tpu.enqueue_dma source(%dma_start3A_86 : memref<128xi32, #tpu.memory_space<hbm>>) target(%dma_start3A_85 : memref<128xi32, #tpu.memory_space<vmem>>) target_semaphore(%run_scoped3A_78 : memref<!tpu.dma_semaphore, #tpu.memory_space<semaphore_mem>>)
      %dma_wait3A_87 = arith.constant 0 : i32
      %dma_wait3A_88 = tpu.memref_slice %arg8[%run_scoped3A_36, %dma_wait3A_87] : memref<2x128xi32, #tpu.memory_space<vmem>> -> memref<1x128xi32, #tpu.memory_space<vmem>>
      %dma_wait3A_89 = tpu.memref_squeeze %dma_wait3A_88 : memref<1x128xi32, #tpu.memory_space<vmem>> -> memref<128xi32, #tpu.memory_space<vmem>>
      %dma_wait3A_90 = tpu.memref_slice %arg2[%add3A_35] : memref<204800xi32, #tpu.memory_space<hbm>> -> memref<128xi32, #tpu.memory_space<hbm>>
      %dma_wait3A_91 = arith.constant 0 : i32
      %dma_wait3A_92 = tpu.memref_slice %arg8[%run_scoped3A_36, %dma_wait3A_91] : memref<2x128xi32, #tpu.memory_space<vmem>> -> memref<1x128xi32, #tpu.memory_space<vmem>>
      %dma_wait3A_93 = tpu.memref_squeeze %dma_wait3A_92 : memref<1x128xi32, #tpu.memory_space<vmem>> -> memref<128xi32, #tpu.memory_space<vmem>>
      %dma_wait3A_94 = tpu.memref_slice %arg2[%add3A_35] : memref<204800xi32, #tpu.memory_space<hbm>> -> memref<128xi32, #tpu.memory_space<hbm>>
      tpu.wait_dma2 semaphore(%run_scoped3A_78 : memref<!tpu.dma_semaphore, #tpu.memory_space<semaphore_mem>>) src(%dma_wait3A_94 : memref<128xi32, #tpu.memory_space<hbm>>) dst(%dma_wait3A_93 : memref<128xi32, #tpu.memory_space<vmem>>)
      tpu.yield
    }) : () -> ()
    %dma_start3A_37 = arith.constant 1 : i32
    %dma_start3A_38 = arith.constant 1 : i32
    %dma_start3A_39 = arith.constant 0 : i32
    %dma_start3A_40 = arith.constant 0 : i32
    %dma_start3A_41 = tpu.memref_slice %arg10[%dma_start3A_38, %dma_start3A_39, %dma_start3A_40] : memref<2x128x64xf32, #tpu.memory_space<vmem>> -> memref<1x128x64xf32, #tpu.memory_space<vmem>>
    %dma_start3A_42 = tpu.memref_squeeze %dma_start3A_41 : memref<1x128x64xf32, #tpu.memory_space<vmem>> -> memref<128x64xf32, #tpu.memory_space<vmem>>
    %dma_start3A_43 = arith.constant 0 : i32
    %dma_start3A_44 = tpu.memref_slice %arg8[%dma_start3A_37, %dma_start3A_43] : memref<2x128xi32, #tpu.memory_space<vmem>> -> memref<1x128xi32, #tpu.memory_space<vmem>>
    %dma_start3A_45 = tpu.memref_squeeze %dma_start3A_44 : memref<1x128xi32, #tpu.memory_space<vmem>> -> memref<128xi32, #tpu.memory_space<vmem>>
    %dma_start3A_46 = arith.constant 0 : i32
    %dma_start3A_47 = arith.constant 0 : i32
    %dma_start3A_48 = tpu.memref_slice %arg3[%dma_start3A_46, %dma_start3A_47] : memref<2000000x64xf32, #tpu.memory_space<hbm>> -> memref<2000000x64xf32, #tpu.memory_space<hbm>>
    tpu.enqueue_indirect_dma source(%dma_start3A_48 : memref<2000000x64xf32, #tpu.memory_space<hbm>>) target(%dma_start3A_42 : memref<128x64xf32, #tpu.memory_space<vmem>>) offsets(%dma_start3A_45 : memref<128xi32, #tpu.memory_space<vmem>>) semaphore(%arg16 : memref<!tpu.dma_semaphore, #tpu.memory_space<semaphore_mem>>)
    %scan3A = arith.constant 0 : i32
    %scan3A_49 = arith.constant 0 : i32
    %scan3A_50 = arith.constant 25 : i32
    %scan3A_51 = arith.addi %scan3A_49, %scan3A_50 : i32
    %scan3A_52 = arith.constant 1 : i32
    %scan3A_53 = scf.for %scan3A_78 = %scan3A_49 to %scan3A_51 step %scan3A_52 iter_args(%scan3A_79 = %scan3A) -> (i32)  : i32 {
      %mul3A_80 = arith.constant 2 : i32
      %mul3A_81 = arith.muli %scan3A_78, %mul3A_80 : i32
      %mul3A_82 = arith.constant 128 : i32
      %mul3A_83 = arith.muli %mul3A_81, %mul3A_82 : i32
      %add3A_84 = arith.addi %mul3A_2, %mul3A_83 : i32
      %shift_right_arithmetic3A = arith.constant 10 : i32
      %shift_right_arithmetic3A_85 = arith.shrsi %add3A_84, %shift_right_arithmetic3A : i32
      %and3A = arith.constant 1023 : i32
      %and3A_86 = arith.andi %add3A_84, %and3A : i32
      %get3A_87 = arith.index_cast %shift_right_arithmetic3A_85 : i32 to index
      %get3A_88 = arith.constant 0 : index
      %get3A_89 = tpu.vector_load %arg12[%get3A_87, %get3A_88] {strides = array<i32>} : memref<200x64xf32, #tpu.memory_space<vmem>>, vector<16xf32>,
      %get3A_90 = arith.index_cast %shift_right_arithmetic3A_85 : i32 to index
      %get3A_91 = arith.constant 16 : index
      %get3A_92 = tpu.vector_load %arg12[%get3A_90, %get3A_91] {strides = array<i32>} : memref<200x64xf32, #tpu.memory_space<vmem>>, vector<16xf32>,
      %get3A_93 = arith.index_cast %shift_right_arithmetic3A_85 : i32 to index
      %get3A_94 = arith.constant 32 : index
      %get3A_95 = tpu.vector_load %arg12[%get3A_93, %get3A_94] {strides = array<i32>} : memref<200x64xf32, #tpu.memory_space<vmem>>, vector<16xf32>,
      %get3A_96 = arith.index_cast %shift_right_arithmetic3A_85 : i32 to index
      %get3A_97 = arith.constant 48 : index
      %get3A_98 = tpu.vector_load %arg12[%get3A_96, %get3A_97] {strides = array<i32>} : memref<200x64xf32, #tpu.memory_space<vmem>>, vector<16xf32>,
      %dma_wait3A_99 = arith.constant 0 : i32
      %dma_wait3A_100 = arith.constant 0 : i32
      %dma_wait3A_101 = arith.constant 0 : i32
      %dma_wait3A_102 = arith.constant 0 : i32
      %dma_wait3A_103 = tpu.memref_slice %arg10[%dma_wait3A_100, %dma_wait3A_101, %dma_wait3A_102] : memref<2x128x64xf32, #tpu.memory_space<vmem>> -> memref<1x128x64xf32, #tpu.memory_space<vmem>>
      %dma_wait3A_104 = tpu.memref_squeeze %dma_wait3A_103 : memref<1x128x64xf32, #tpu.memory_space<vmem>> -> memref<128x64xf32, #tpu.memory_space<vmem>>
      %dma_wait3A_105 = arith.constant 0 : i32
      %dma_wait3A_106 = tpu.memref_slice %arg8[%dma_wait3A_99, %dma_wait3A_105] : memref<2x128xi32, #tpu.memory_space<vmem>> -> memref<1x128xi32, #tpu.memory_space<vmem>>
      %dma_wait3A_107 = tpu.memref_squeeze %dma_wait3A_106 : memref<1x128xi32, #tpu.memory_space<vmem>> -> memref<128xi32, #tpu.memory_space<vmem>>
      %dma_wait3A_108 = arith.constant 0 : i32
      %dma_wait3A_109 = arith.constant 0 : i32
      %dma_wait3A_110 = tpu.memref_slice %arg3[%dma_wait3A_108, %dma_wait3A_109] : memref<2000000x64xf32, #tpu.memory_space<hbm>> -> memref<2000000x64xf32, #tpu.memory_space<hbm>>
      tpu.wait_indirect_dma semaphore(%arg15 : memref<!tpu.dma_semaphore, #tpu.memory_space<semaphore_mem>>) src(%dma_wait3A_110 : memref<2000000x64xf32, #tpu.memory_space<hbm>>) dst(%dma_wait3A_104 : memref<128x64xf32, #tpu.memory_space<vmem>>)
      %ge3A = arith.constant 2 : i32
      %ge3A_111 = arith.cmpi sge, %mul3A_81, %ge3A : i32
      %convert_element_type3A = arith.extui %ge3A_111 : i1 to i32
      %cond3A = arith.constant 0 : i32
      %cond3A_112 = arith.cmpi ne, %convert_element_type3A, %cond3A : i32
      scf.if %cond3A_112 {
        %dma_wait3A_338 = arith.constant 0 : i32
        %dma_wait3A_339 = arith.constant 0 : i32
        %dma_wait3A_340 = arith.constant 0 : i32
        %dma_wait3A_341 = arith.constant 0 : i32
        %dma_wait3A_342 = tpu.memref_slice %arg11[%dma_wait3A_338, %dma_wait3A_340, %dma_wait3A_341] : memref<2x128x64xf32, #tpu.memory_space<vmem>> -> memref<1x128x64xf32, #tpu.memory_space<vmem>>
        %dma_wait3A_343 = tpu.memref_squeeze %dma_wait3A_342 : memref<1x128x64xf32, #tpu.memory_space<vmem>> -> memref<128x64xf32, #tpu.memory_space<vmem>>
        %dma_wait3A_344 = arith.constant 0 : i32
        %dma_wait3A_345 = tpu.memref_slice %arg9[%dma_wait3A_339, %dma_wait3A_344] : memref<2x128xi32, #tpu.memory_space<vmem>> -> memref<1x128xi32, #tpu.memory_space<vmem>>
        %dma_wait3A_346 = tpu.memref_squeeze %dma_wait3A_345 : memref<1x128xi32, #tpu.memory_space<vmem>> -> memref<128xi32, #tpu.memory_space<vmem>>
        %dma_wait3A_347 = arith.constant 0 : i32
        %dma_wait3A_348 = arith.constant 0 : i32
        %dma_wait3A_349 = tpu.memref_slice %arg7[%dma_wait3A_347, %dma_wait3A_348] : memref<204800x64xf32, #tpu.memory_space<hbm>> -> memref<204800x64xf32, #tpu.memory_space<hbm>>
        tpu.wait_indirect_dma semaphore(%arg17 : memref<!tpu.dma_semaphore, #tpu.memory_space<semaphore_mem>>) src(%dma_wait3A_343 : memref<128x64xf32, #tpu.memory_space<vmem>>) dst(%dma_wait3A_349 : memref<204800x64xf32, #tpu.memory_space<hbm>>)
      } else {
      }
      %mul3A_113 = arith.constant 200 : i32
      %mul3A_114 = arith.muli %and3A_86, %mul3A_113 : i32
      %add3A_115 = arith.addi %mul3A_114, %shift_right_arithmetic3A_85 : i32
      %add3A_116 = arith.constant 0 : i32
      %add3A_117 = arith.addi %add3A_115, %add3A_116 : i32
      %add3A_118 = vector.broadcast %add3A_117 : i32 to vector<16xi32>
      %add3A_119 = arith.addi %mul3A_5, %add3A_118 : vector<16xi32>
      %swap3A = arith.constant 0 : i32
      %swap3A_120 = arith.index_cast %swap3A : i32 to index
      %swap3A_121 = arith.constant 0 : index
      %swap3A_122 = tpu.vector_load %arg9[%swap3A_120, %swap3A_121] {strides = array<i32>} : memref<2x128xi32, #tpu.memory_space<vmem>>, vector<16xi32>,
      tpu.vector_store %arg9[%swap3A_120, %swap3A_121], %add3A_119 {strides = array<i32>} : memref<2x128xi32, #tpu.memory_space<vmem>>, vector<16xi32>,
      %add3A_123 = arith.constant 3200 : i32
      %add3A_124 = arith.addi %add3A_115, %add3A_123 : i32
      %add3A_125 = vector.broadcast %add3A_124 : i32 to vector<16xi32>
      %add3A_126 = arith.addi %mul3A_5, %add3A_125 : vector<16xi32>
      %swap3A_127 = arith.constant 0 : i32
      %swap3A_128 = arith.index_cast %swap3A_127 : i32 to index
      %swap3A_129 = arith.constant 16 : index
      %swap3A_130 = tpu.vector_load %arg9[%swap3A_128, %swap3A_129] {strides = array<i32>} : memref<2x128xi32, #tpu.memory_space<vmem>>, vector<16xi32>,
      tpu.vector_store %arg9[%swap3A_128, %swap3A_129], %add3A_126 {strides = array<i32>} : memref<2x128xi32, #tpu.memory_space<vmem>>, vector<16xi32>,
      %add3A_131 = arith.constant 6400 : i32
      %add3A_132 = arith.addi %add3A_115, %add3A_131 : i32
      %add3A_133 = vector.broadcast %add3A_132 : i32 to vector<16xi32>
      %add3A_134 = arith.addi %mul3A_5, %add3A_133 : vector<16xi32>
      %swap3A_135 = arith.constant 0 : i32
      %swap3A_136 = arith.index_cast %swap3A_135 : i32 to index
      %swap3A_137 = arith.constant 32 : index
      %swap3A_138 = tpu.vector_load %arg9[%swap3A_136, %swap3A_137] {strides = array<i32>} : memref<2x128xi32, #tpu.memory_space<vmem>>, vector<16xi32>,
      tpu.vector_store %arg9[%swap3A_136, %swap3A_137], %add3A_134 {strides = array<i32>} : memref<2x128xi32, #tpu.memory_space<vmem>>, vector<16xi32>,
      %add3A_139 = arith.constant 9600 : i32
      %add3A_140 = arith.addi %add3A_115, %add3A_139 : i32
      %add3A_141 = vector.broadcast %add3A_140 : i32 to vector<16xi32>
      %add3A_142 = arith.addi %mul3A_5, %add3A_141 : vector<16xi32>
      %swap3A_143 = arith.constant 0 : i32
      %swap3A_144 = arith.index_cast %swap3A_143 : i32 to index
      %swap3A_145 = arith.constant 48 : index
      %swap3A_146 = tpu.vector_load %arg9[%swap3A_144, %swap3A_145] {strides = array<i32>} : memref<2x128xi32, #tpu.memory_space<vmem>>, vector<16xi32>,
      tpu.vector_store %arg9[%swap3A_144, %swap3A_145], %add3A_142 {strides = array<i32>} : memref<2x128xi32, #tpu.memory_space<vmem>>, vector<16xi32>,
      %add3A_147 = arith.constant 12800 : i32
      %add3A_148 = arith.addi %add3A_115, %add3A_147 : i32
      %add3A_149 = vector.broadcast %add3A_148 : i32 to vector<16xi32>
      %add3A_150 = arith.addi %mul3A_5, %add3A_149 : vector<16xi32>
      %swap3A_151 = arith.constant 0 : i32
      %swap3A_152 = arith.index_cast %swap3A_151 : i32 to index
      %swap3A_153 = arith.constant 64 : index
      %swap3A_154 = tpu.vector_load %arg9[%swap3A_152, %swap3A_153] {strides = array<i32>} : memref<2x128xi32, #tpu.memory_space<vmem>>, vector<16xi32>,
      tpu.vector_store %arg9[%swap3A_152, %swap3A_153], %add3A_150 {strides = array<i32>} : memref<2x128xi32, #tpu.memory_space<vmem>>, vector<16xi32>,
      %add3A_155 = arith.constant 16000 : i32
      %add3A_156 = arith.addi %add3A_115, %add3A_155 : i32
      %add3A_157 = vector.broadcast %add3A_156 : i32 to vector<16xi32>
      %add3A_158 = arith.addi %mul3A_5, %add3A_157 : vector<16xi32>
      %swap3A_159 = arith.constant 0 : i32
      %swap3A_160 = arith.index_cast %swap3A_159 : i32 to index
      %swap3A_161 = arith.constant 80 : index
      %swap3A_162 = tpu.vector_load %arg9[%swap3A_160, %swap3A_161] {strides = array<i32>} : memref<2x128xi32, #tpu.memory_space<vmem>>, vector<16xi32>,
      tpu.vector_store %arg9[%swap3A_160, %swap3A_161], %add3A_158 {strides = array<i32>} : memref<2x128xi32, #tpu.memory_space<vmem>>, vector<16xi32>,
      %add3A_163 = arith.constant 19200 : i32
      %add3A_164 = arith.addi %add3A_115, %add3A_163 : i32
      %add3A_165 = vector.broadcast %add3A_164 : i32 to vector<16xi32>
      %add3A_166 = arith.addi %mul3A_5, %add3A_165 : vector<16xi32>
      %swap3A_167 = arith.constant 0 : i32
      %swap3A_168 = arith.index_cast %swap3A_167 : i32 to index
      %swap3A_169 = arith.constant 96 : index
      %swap3A_170 = tpu.vector_load %arg9[%swap3A_168, %swap3A_169] {strides = array<i32>} : memref<2x128xi32, #tpu.memory_space<vmem>>, vector<16xi32>,
      tpu.vector_store %arg9[%swap3A_168, %swap3A_169], %add3A_166 {strides = array<i32>} : memref<2x128xi32, #tpu.memory_space<vmem>>, vector<16xi32>,
      %add3A_171 = arith.constant 22400 : i32
      %add3A_172 = arith.addi %add3A_115, %add3A_171 : i32
      %add3A_173 = vector.broadcast %add3A_172 : i32 to vector<16xi32>
      %add3A_174 = arith.addi %mul3A_5, %add3A_173 : vector<16xi32>
      %swap3A_175 = arith.constant 0 : i32
      %swap3A_176 = arith.index_cast %swap3A_175 : i32 to index
      %swap3A_177 = arith.constant 112 : index
      %swap3A_178 = tpu.vector_load %arg9[%swap3A_176, %swap3A_177] {strides = array<i32>} : memref<2x128xi32, #tpu.memory_space<vmem>>, vector<16xi32>,
      tpu.vector_store %arg9[%swap3A_176, %swap3A_177], %add3A_174 {strides = array<i32>} : memref<2x128xi32, #tpu.memory_space<vmem>>, vector<16xi32>,
      %scan3A_179 = arith.constant 0 : i32
      %scan3A_180 = arith.constant 0 : i32
      %scan3A_181 = arith.constant 128 : i32
      %scan3A_182 = arith.addi %scan3A_180, %scan3A_181 : i32
      %scan3A_183 = arith.constant 1 : i32
      %scan3A_184 = scf.for %scan3A_338 = %scan3A_180 to %scan3A_182 step %scan3A_183 iter_args(%scan3A_339 = %scan3A_179) -> (i32)  : i32 {
        %get3A_340 = arith.constant 0 : i32
        %get3A_341 = arith.index_cast %get3A_340 : i32 to index
        %get3A_342 = arith.index_cast %scan3A_338 : i32 to index
        %get3A_343 = arith.constant 0 : index
        %get3A_344 = tpu.vector_load %arg10[%get3A_341, %get3A_342, %get3A_343] {strides = array<i32>} : memref<2x128x64xf32, #tpu.memory_space<vmem>>, vector<16xf32>,
        %add3A_345 = arith.addf %get3A_344, %get3A_89 : vector<16xf32>
        %get3A_346 = arith.constant 0 : i32
        %get3A_347 = arith.index_cast %get3A_346 : i32 to index
        %get3A_348 = arith.index_cast %scan3A_338 : i32 to index
        %get3A_349 = arith.constant 16 : index
        %get3A_350 = tpu.vector_load %arg10[%get3A_347, %get3A_348, %get3A_349] {strides = array<i32>} : memref<2x128x64xf32, #tpu.memory_space<vmem>>, vector<16xf32>,
        %add3A_351 = arith.addf %get3A_350, %get3A_92 : vector<16xf32>
        %get3A_352 = arith.constant 0 : i32
        %get3A_353 = arith.index_cast %get3A_352 : i32 to index
        %get3A_354 = arith.index_cast %scan3A_338 : i32 to index
        %get3A_355 = arith.constant 32 : index
        %get3A_356 = tpu.vector_load %arg10[%get3A_353, %get3A_354, %get3A_355] {strides = array<i32>} : memref<2x128x64xf32, #tpu.memory_space<vmem>>, vector<16xf32>,
        %add3A_357 = arith.addf %get3A_356, %get3A_95 : vector<16xf32>
        %get3A_358 = arith.constant 0 : i32
        %get3A_359 = arith.index_cast %get3A_358 : i32 to index
        %get3A_360 = arith.index_cast %scan3A_338 : i32 to index
        %get3A_361 = arith.constant 48 : index
        %get3A_362 = tpu.vector_load %arg10[%get3A_359, %get3A_360, %get3A_361] {strides = array<i32>} : memref<2x128x64xf32, #tpu.memory_space<vmem>>, vector<16xf32>,
        %add3A_363 = arith.addf %get3A_362, %get3A_98 : vector<16xf32>
        %mul3A_364 = arith.mulf %add3A_345, %add3A_345 : vector<16xf32>
        %add3A_365 = arith.addf %add3A_345, %add3A_351 : vector<16xf32>
        %mul3A_366 = arith.mulf %add3A_351, %add3A_351 : vector<16xf32>
        %add3A_367 = arith.addf %mul3A_364, %mul3A_366 : vector<16xf32>
        %add3A_368 = arith.addf %add3A_365, %add3A_357 : vector<16xf32>
        %mul3A_369 = arith.mulf %add3A_357, %add3A_357 : vector<16xf32>
        %add3A_370 = arith.addf %add3A_367, %mul3A_369 : vector<16xf32>
        %add3A_371 = arith.addf %add3A_368, %add3A_363 : vector<16xf32>
        %mul3A_372 = arith.mulf %add3A_363, %add3A_363 : vector<16xf32>
        %add3A_373 = arith.addf %add3A_370, %mul3A_372 : vector<16xf32>
        %reduce_sum3A = arith.constant true
        %reduce_sum3A_374 = vector.broadcast %reduce_sum3A : i1 to vector<16xi1>
        %reduce_sum3A_375 = tpu.scan <sum>, %add3A_371 masked %reduce_sum3A_374 : vector<16xf32>, vector<16xi1> -> vector<16xf32>
        %reduce_sum3A_376 = vector.extract %reduce_sum3A_375[15] : f32 from vector<16xf32>
        %mul3A_377 = arith.constant 1.562500e-02 : f32
        %mul3A_378 = arith.mulf %reduce_sum3A_376, %mul3A_377 : f32
        %reduce_sum3A_379 = arith.constant true
        %reduce_sum3A_380 = vector.broadcast %reduce_sum3A_379 : i1 to vector<16xi1>
        %reduce_sum3A_381 = tpu.scan <sum>, %add3A_373 masked %reduce_sum3A_380 : vector<16xf32>, vector<16xi1> -> vector<16xf32>
        %reduce_sum3A_382 = vector.extract %reduce_sum3A_381[15] : f32 from vector<16xf32>
        %mul3A_383 = arith.constant 1.562500e-02 : f32
        %mul3A_384 = arith.mulf %reduce_sum3A_382, %mul3A_383 : f32
        %mul3A_385 = arith.mulf %mul3A_378, %mul3A_378 : f32
        %sub3A = arith.subf %mul3A_384, %mul3A_385 : f32
        %add3A_386 = arith.constant 9.99999974E-6 : f32
        %add3A_387 = arith.addf %sub3A, %add3A_386 : f32
        %bitcast_convert_type3A = arith.bitcast %add3A_387 : f32 to i32
        %shift_right_arithmetic3A_388 = arith.constant 1 : i32
        %shift_right_arithmetic3A_389 = arith.shrsi %bitcast_convert_type3A, %shift_right_arithmetic3A_388 : i32
        %sub3A_390 = arith.constant 1597463007 : i32
        %sub3A_391 = arith.subi %sub3A_390, %shift_right_arithmetic3A_389 : i32
        %bitcast_convert_type3A_392 = arith.bitcast %sub3A_391 : i32 to f32
        %mul3A_393 = arith.constant 5.000000e-01 : f32
        %mul3A_394 = arith.mulf %mul3A_393, %add3A_387 : f32
        %mul3A_395 = arith.mulf %mul3A_394, %bitcast_convert_type3A_392 : f32
        %mul3A_396 = arith.mulf %mul3A_395, %bitcast_convert_type3A_392 : f32
        %sub3A_397 = arith.constant 1.500000e+00 : f32
        %sub3A_398 = arith.subf %sub3A_397, %mul3A_396 : f32
        %mul3A_399 = arith.mulf %bitcast_convert_type3A_392, %sub3A_398 : f32
        %mul3A_400 = arith.constant 5.000000e-01 : f32
        %mul3A_401 = arith.mulf %mul3A_400, %add3A_387 : f32
        %mul3A_402 = arith.mulf %mul3A_401, %mul3A_399 : f32
        %mul3A_403 = arith.mulf %mul3A_402, %mul3A_399 : f32
        %sub3A_404 = arith.constant 1.500000e+00 : f32
        %sub3A_405 = arith.subf %sub3A_404, %mul3A_403 : f32
        %mul3A_406 = arith.mulf %mul3A_399, %sub3A_405 : f32
        %mul3A_407 = arith.constant 5.000000e-01 : f32
        %mul3A_408 = arith.mulf %mul3A_407, %add3A_387 : f32
        %mul3A_409 = arith.mulf %mul3A_408, %mul3A_406 : f32
        %mul3A_410 = arith.mulf %mul3A_409, %mul3A_406 : f32
        %sub3A_411 = arith.constant 1.500000e+00 : f32
        %sub3A_412 = arith.subf %sub3A_411, %mul3A_410 : f32
        %mul3A_413 = arith.mulf %mul3A_406, %sub3A_412 : f32
        %sub3A_414 = vector.broadcast %mul3A_378 : f32 to vector<16xf32>
        %sub3A_415 = arith.subf %add3A_345, %sub3A_414 : vector<16xf32>
        %mul3A_416 = vector.broadcast %mul3A_413 : f32 to vector<16xf32>
        %mul3A_417 = arith.mulf %sub3A_415, %mul3A_416 : vector<16xf32>
        %mul3A_418 = arith.mulf %mul3A_417, %get3A_6 : vector<16xf32>
        %add3A_419 = arith.addf %mul3A_418, %get3A_14 : vector<16xf32>
        %swap3A_420 = arith.constant 0 : i32
        %swap3A_421 = arith.index_cast %swap3A_420 : i32 to index
        %swap3A_422 = arith.index_cast %scan3A_338 : i32 to index
        %swap3A_423 = arith.constant 0 : index
        %swap3A_424 = tpu.vector_load %arg11[%swap3A_421, %swap3A_422, %swap3A_423] {strides = array<i32>} : memref<2x128x64xf32, #tpu.memory_space<vmem>>, vector<16xf32>,
        tpu.vector_store %arg11[%swap3A_421, %swap3A_422, %swap3A_423], %add3A_419 {strides = array<i32>} : memref<2x128x64xf32, #tpu.memory_space<vmem>>, vector<16xf32>,
        %sub3A_425 = vector.broadcast %mul3A_378 : f32 to vector<16xf32>
        %sub3A_426 = arith.subf %add3A_351, %sub3A_425 : vector<16xf32>
        %mul3A_427 = vector.broadcast %mul3A_413 : f32 to vector<16xf32>
        %mul3A_428 = arith.mulf %sub3A_426, %mul3A_427 : vector<16xf32>
        %mul3A_429 = arith.mulf %mul3A_428, %get3A_8 : vector<16xf32>
        %add3A_430 = arith.addf %mul3A_429, %get3A_16 : vector<16xf32>
        %swap3A_431 = arith.constant 0 : i32
        %swap3A_432 = arith.index_cast %swap3A_431 : i32 to index
        %swap3A_433 = arith.index_cast %scan3A_338 : i32 to index
        %swap3A_434 = arith.constant 16 : index
        %swap3A_435 = tpu.vector_load %arg11[%swap3A_432, %swap3A_433, %swap3A_434] {strides = array<i32>} : memref<2x128x64xf32, #tpu.memory_space<vmem>>, vector<16xf32>,
        tpu.vector_store %arg11[%swap3A_432, %swap3A_433, %swap3A_434], %add3A_430 {strides = array<i32>} : memref<2x128x64xf32, #tpu.memory_space<vmem>>, vector<16xf32>,
        %sub3A_436 = vector.broadcast %mul3A_378 : f32 to vector<16xf32>
        %sub3A_437 = arith.subf %add3A_357, %sub3A_436 : vector<16xf32>
        %mul3A_438 = vector.broadcast %mul3A_413 : f32 to vector<16xf32>
        %mul3A_439 = arith.mulf %sub3A_437, %mul3A_438 : vector<16xf32>
        %mul3A_440 = arith.mulf %mul3A_439, %get3A_10 : vector<16xf32>
        %add3A_441 = arith.addf %mul3A_440, %get3A_18 : vector<16xf32>
        %swap3A_442 = arith.constant 0 : i32
        %swap3A_443 = arith.index_cast %swap3A_442 : i32 to index
        %swap3A_444 = arith.index_cast %scan3A_338 : i32 to index
        %swap3A_445 = arith.constant 32 : index
        %swap3A_446 = tpu.vector_load %arg11[%swap3A_443, %swap3A_444, %swap3A_445] {strides = array<i32>} : memref<2x128x64xf32, #tpu.memory_space<vmem>>, vector<16xf32>,
        tpu.vector_store %arg11[%swap3A_443, %swap3A_444, %swap3A_445], %add3A_441 {strides = array<i32>} : memref<2x128x64xf32, #tpu.memory_space<vmem>>, vector<16xf32>,
        %sub3A_447 = vector.broadcast %mul3A_378 : f32 to vector<16xf32>
        %sub3A_448 = arith.subf %add3A_363, %sub3A_447 : vector<16xf32>
        %mul3A_449 = vector.broadcast %mul3A_413 : f32 to vector<16xf32>
        %mul3A_450 = arith.mulf %sub3A_448, %mul3A_449 : vector<16xf32>
        %mul3A_451 = arith.mulf %mul3A_450, %get3A_12 : vector<16xf32>
        %add3A_452 = arith.addf %mul3A_451, %get3A_20 : vector<16xf32>
        %swap3A_453 = arith.constant 0 : i32
        %swap3A_454 = arith.index_cast %swap3A_453 : i32 to index
        %swap3A_455 = arith.index_cast %scan3A_338 : i32 to index
        %swap3A_456 = arith.constant 48 : index
        %swap3A_457 = tpu.vector_load %arg11[%swap3A_454, %swap3A_455, %swap3A_456] {strides = array<i32>} : memref<2x128x64xf32, #tpu.memory_space<vmem>>, vector<16xf32>,
        tpu.vector_store %arg11[%swap3A_454, %swap3A_455, %swap3A_456], %add3A_452 {strides = array<i32>} : memref<2x128x64xf32, #tpu.memory_space<vmem>>, vector<16xf32>,
        %scan3A_458 = arith.constant 0 : i32
        scf.yield %scan3A_458 : i32
      }
      %scan3A_185 = arith.constant 128 : i32
      %dma_start3A_186 = arith.constant 0 : i32
      %dma_start3A_187 = arith.constant 0 : i32
      %dma_start3A_188 = arith.constant 0 : i32
      %dma_start3A_189 = arith.constant 0 : i32
      %dma_start3A_190 = tpu.memref_slice %arg11[%dma_start3A_186, %dma_start3A_188, %dma_start3A_189] : memref<2x128x64xf32, #tpu.memory_space<vmem>> -> memref<1x128x64xf32, #tpu.memory_space<vmem>>
      %dma_start3A_191 = tpu.memref_squeeze %dma_start3A_190 : memref<1x128x64xf32, #tpu.memory_space<vmem>> -> memref<128x64xf32, #tpu.memory_space<vmem>>
      %dma_start3A_192 = arith.constant 0 : i32
      %dma_start3A_193 = tpu.memref_slice %arg9[%dma_start3A_187, %dma_start3A_192] : memref<2x128xi32, #tpu.memory_space<vmem>> -> memref<1x128xi32, #tpu.memory_space<vmem>>
      %dma_start3A_194 = tpu.memref_squeeze %dma_start3A_193 : memref<1x128xi32, #tpu.memory_space<vmem>> -> memref<128xi32, #tpu.memory_space<vmem>>
      %dma_start3A_195 = arith.constant 0 : i32
      %dma_start3A_196 = arith.constant 0 : i32
      %dma_start3A_197 = tpu.memref_slice %arg7[%dma_start3A_195, %dma_start3A_196] : memref<204800x64xf32, #tpu.memory_space<hbm>> -> memref<204800x64xf32, #tpu.memory_space<hbm>>
      tpu.enqueue_indirect_dma source(%dma_start3A_191 : memref<128x64xf32, #tpu.memory_space<vmem>>) target(%dma_start3A_197 : memref<204800x64xf32, #tpu.memory_space<hbm>>) offsets(%dma_start3A_194 : memref<128xi32, #tpu.memory_space<vmem>>) semaphore(%arg17 : memref<!tpu.dma_semaphore, #tpu.memory_space<semaphore_mem>>)
      %add3A_198 = arith.constant 2 : i32
      %add3A_199 = arith.addi %mul3A_81, %add3A_198 : i32
      %lt3A = arith.constant 50 : i32
      %lt3A_200 = arith.cmpi slt, %add3A_199, %lt3A : i32
      %convert_element_type3A_201 = arith.extui %lt3A_200 : i1 to i32
      %cond3A_202 = arith.constant 0 : i32
      %cond3A_203 = arith.cmpi ne, %convert_element_type3A_201, %cond3A_202 : i32
      scf.if %cond3A_203 {
        %add3A_338 = arith.constant 2 : i32
        %add3A_339 = arith.addi %mul3A_81, %add3A_338 : i32
        %mul3A_340 = arith.constant 128 : i32
        %mul3A_341 = arith.muli %add3A_339, %mul3A_340 : i32
        %add3A_342 = arith.addi %mul3A_2, %mul3A_341 : i32
        %run_scoped3A_343 = arith.constant 0 : i32
        "tpu.region"() ({
          %run_scoped3A_356 = tpu.sem_alloc : memref<!tpu.dma_semaphore, #tpu.memory_space<semaphore_mem>>
          %dma_start3A_357 = arith.constant 0 : i32
          %dma_start3A_358 = tpu.memref_slice %arg8[%run_scoped3A_343, %dma_start3A_357] : memref<2x128xi32, #tpu.memory_space<vmem>> -> memref<1x128xi32, #tpu.memory_space<vmem>>
          %dma_start3A_359 = tpu.memref_squeeze %dma_start3A_358 : memref<1x128xi32, #tpu.memory_space<vmem>> -> memref<128xi32, #tpu.memory_space<vmem>>
          %dma_start3A_360 = tpu.memref_slice %arg2[%add3A_342] : memref<204800xi32, #tpu.memory_space<hbm>> -> memref<128xi32, #tpu.memory_space<hbm>>
          %dma_start3A_361 = arith.constant 0 : i32
          %dma_start3A_362 = tpu.memref_slice %arg8[%run_scoped3A_343, %dma_start3A_361] : memref<2x128xi32, #tpu.memory_space<vmem>> -> memref<1x128xi32, #tpu.memory_space<vmem>>
          %dma_start3A_363 = tpu.memref_squeeze %dma_start3A_362 : memref<1x128xi32, #tpu.memory_space<vmem>> -> memref<128xi32, #tpu.memory_space<vmem>>
          %dma_start3A_364 = tpu.memref_slice %arg2[%add3A_342] : memref<204800xi32, #tpu.memory_space<hbm>> -> memref<128xi32, #tpu.memory_space<hbm>>
          tpu.enqueue_dma source(%dma_start3A_364 : memref<128xi32, #tpu.memory_space<hbm>>) target(%dma_start3A_363 : memref<128xi32, #tpu.memory_space<vmem>>) target_semaphore(%run_scoped3A_356 : memref<!tpu.dma_semaphore, #tpu.memory_space<semaphore_mem>>)
          %dma_wait3A_365 = arith.constant 0 : i32
          %dma_wait3A_366 = tpu.memref_slice %arg8[%run_scoped3A_343, %dma_wait3A_365] : memref<2x128xi32, #tpu.memory_space<vmem>> -> memref<1x128xi32, #tpu.memory_space<vmem>>
          %dma_wait3A_367 = tpu.memref_squeeze %dma_wait3A_366 : memref<1x128xi32, #tpu.memory_space<vmem>> -> memref<128xi32, #tpu.memory_space<vmem>>
          %dma_wait3A_368 = tpu.memref_slice %arg2[%add3A_342] : memref<204800xi32, #tpu.memory_space<hbm>> -> memref<128xi32, #tpu.memory_space<hbm>>
          %dma_wait3A_369 = arith.constant 0 : i32
          %dma_wait3A_370 = tpu.memref_slice %arg8[%run_scoped3A_343, %dma_wait3A_369] : memref<2x128xi32, #tpu.memory_space<vmem>> -> memref<1x128xi32, #tpu.memory_space<vmem>>
          %dma_wait3A_371 = tpu.memref_squeeze %dma_wait3A_370 : memref<1x128xi32, #tpu.memory_space<vmem>> -> memref<128xi32, #tpu.memory_space<vmem>>
          %dma_wait3A_372 = tpu.memref_slice %arg2[%add3A_342] : memref<204800xi32, #tpu.memory_space<hbm>> -> memref<128xi32, #tpu.memory_space<hbm>>
          tpu.wait_dma2 semaphore(%run_scoped3A_356 : memref<!tpu.dma_semaphore, #tpu.memory_space<semaphore_mem>>) src(%dma_wait3A_372 : memref<128xi32, #tpu.memory_space<hbm>>) dst(%dma_wait3A_371 : memref<128xi32, #tpu.memory_space<vmem>>)
          tpu.yield
        }) : () -> ()
        %dma_start3A_344 = arith.constant 0 : i32
        %dma_start3A_345 = arith.constant 0 : i32
        %dma_start3A_346 = arith.constant 0 : i32
        %dma_start3A_347 = arith.constant 0 : i32
        %dma_start3A_348 = tpu.memref_slice %arg10[%dma_start3A_345, %dma_start3A_346, %dma_start3A_347] : memref<2x128x64xf32, #tpu.memory_space<vmem>> -> memref<1x128x64xf32, #tpu.memory_space<vmem>>
        %dma_start3A_349 = tpu.memref_squeeze %dma_start3A_348 : memref<1x128x64xf32, #tpu.memory_space<vmem>> -> memref<128x64xf32, #tpu.memory_space<vmem>>
        %dma_start3A_350 = arith.constant 0 : i32
        %dma_start3A_351 = tpu.memref_slice %arg8[%dma_start3A_344, %dma_start3A_350] : memref<2x128xi32, #tpu.memory_space<vmem>> -> memref<1x128xi32, #tpu.memory_space<vmem>>
        %dma_start3A_352 = tpu.memref_squeeze %dma_start3A_351 : memref<1x128xi32, #tpu.memory_space<vmem>> -> memref<128xi32, #tpu.memory_space<vmem>>
        %dma_start3A_353 = arith.constant 0 : i32
        %dma_start3A_354 = arith.constant 0 : i32
        %dma_start3A_355 = tpu.memref_slice %arg3[%dma_start3A_353, %dma_start3A_354] : memref<2000000x64xf32, #tpu.memory_space<hbm>> -> memref<2000000x64xf32, #tpu.memory_space<hbm>>
        tpu.enqueue_indirect_dma source(%dma_start3A_355 : memref<2000000x64xf32, #tpu.memory_space<hbm>>) target(%dma_start3A_349 : memref<128x64xf32, #tpu.memory_space<vmem>>) offsets(%dma_start3A_352 : memref<128xi32, #tpu.memory_space<vmem>>) semaphore(%arg15 : memref<!tpu.dma_semaphore, #tpu.memory_space<semaphore_mem>>)
      } else {
      }
      %mul3A_204 = arith.constant 2 : i32
      %mul3A_205 = arith.muli %scan3A_78, %mul3A_204 : i32
      %add3A_206 = arith.constant 1 : i32
      %add3A_207 = arith.addi %mul3A_205, %add3A_206 : i32
      %mul3A_208 = arith.constant 128 : i32
      %mul3A_209 = arith.muli %add3A_207, %mul3A_208 : i32
      %add3A_210 = arith.addi %mul3A_2, %mul3A_209 : i32
      %shift_right_arithmetic3A_211 = arith.constant 10 : i32
      %shift_right_arithmetic3A_212 = arith.shrsi %add3A_210, %shift_right_arithmetic3A_211 : i32
      %and3A_213 = arith.constant 1023 : i32
      %and3A_214 = arith.andi %add3A_210, %and3A_213 : i32
      %get3A_215 = arith.index_cast %shift_right_arithmetic3A_212 : i32 to index
      %get3A_216 = arith.constant 0 : index
      %get3A_217 = tpu.vector_load %arg12[%get3A_215, %get3A_216] {strides = array<i32>} : memref<200x64xf32, #tpu.memory_space<vmem>>, vector<16xf32>,
      %get3A_218 = arith.index_cast %shift_right_arithmetic3A_212 : i32 to index
      %get3A_219 = arith.constant 16 : index
      %get3A_220 = tpu.vector_load %arg12[%get3A_218, %get3A_219] {strides = array<i32>} : memref<200x64xf32, #tpu.memory_space<vmem>>, vector<16xf32>,
      %get3A_221 = arith.index_cast %shift_right_arithmetic3A_212 : i32 to index
      %get3A_222 = arith.constant 32 : index
      %get3A_223 = tpu.vector_load %arg12[%get3A_221, %get3A_222] {strides = array<i32>} : memref<200x64xf32, #tpu.memory_space<vmem>>, vector<16xf32>,
      %get3A_224 = arith.index_cast %shift_right_arithmetic3A_212 : i32 to index
      %get3A_225 = arith.constant 48 : index
      %get3A_226 = tpu.vector_load %arg12[%get3A_224, %get3A_225] {strides = array<i32>} : memref<200x64xf32, #tpu.memory_space<vmem>>, vector<16xf32>,
      %dma_wait3A_227 = arith.constant 1 : i32
      %dma_wait3A_228 = arith.constant 1 : i32
      %dma_wait3A_229 = arith.constant 0 : i32
      %dma_wait3A_230 = arith.constant 0 : i32
      %dma_wait3A_231 = tpu.memref_slice %arg10[%dma_wait3A_228, %dma_wait3A_229, %dma_wait3A_230] : memref<2x128x64xf32, #tpu.memory_space<vmem>> -> memref<1x128x64xf32, #tpu.memory_space<vmem>>
      %dma_wait3A_232 = tpu.memref_squeeze %dma_wait3A_231 : memref<1x128x64xf32, #tpu.memory_space<vmem>> -> memref<128x64xf32, #tpu.memory_space<vmem>>
      %dma_wait3A_233 = arith.constant 0 : i32
      %dma_wait3A_234 = tpu.memref_slice %arg8[%dma_wait3A_227, %dma_wait3A_233] : memref<2x128xi32, #tpu.memory_space<vmem>> -> memref<1x128xi32, #tpu.memory_space<vmem>>
      %dma_wait3A_235 = tpu.memref_squeeze %dma_wait3A_234 : memref<1x128xi32, #tpu.memory_space<vmem>> -> memref<128xi32, #tpu.memory_space<vmem>>
      %dma_wait3A_236 = arith.constant 0 : i32
      %dma_wait3A_237 = arith.constant 0 : i32
      %dma_wait3A_238 = tpu.memref_slice %arg3[%dma_wait3A_236, %dma_wait3A_237] : memref<2000000x64xf32, #tpu.memory_space<hbm>> -> memref<2000000x64xf32, #tpu.memory_space<hbm>>
      tpu.wait_indirect_dma semaphore(%arg16 : memref<!tpu.dma_semaphore, #tpu.memory_space<semaphore_mem>>) src(%dma_wait3A_238 : memref<2000000x64xf32, #tpu.memory_space<hbm>>) dst(%dma_wait3A_232 : memref<128x64xf32, #tpu.memory_space<vmem>>)
      %ge3A_239 = arith.constant 2 : i32
      %ge3A_240 = arith.cmpi sge, %add3A_207, %ge3A_239 : i32
      %convert_element_type3A_241 = arith.extui %ge3A_240 : i1 to i32
      %cond3A_242 = arith.constant 0 : i32
      %cond3A_243 = arith.cmpi ne, %convert_element_type3A_241, %cond3A_242 : i32
      scf.if %cond3A_243 {
        %dma_wait3A_338 = arith.constant 1 : i32
        %dma_wait3A_339 = arith.constant 1 : i32
        %dma_wait3A_340 = arith.constant 0 : i32
        %dma_wait3A_341 = arith.constant 0 : i32
        %dma_wait3A_342 = tpu.memref_slice %arg11[%dma_wait3A_338, %dma_wait3A_340, %dma_wait3A_341] : memref<2x128x64xf32, #tpu.memory_space<vmem>> -> memref<1x128x64xf32, #tpu.memory_space<vmem>>
        %dma_wait3A_343 = tpu.memref_squeeze %dma_wait3A_342 : memref<1x128x64xf32, #tpu.memory_space<vmem>> -> memref<128x64xf32, #tpu.memory_space<vmem>>
        %dma_wait3A_344 = arith.constant 0 : i32
        %dma_wait3A_345 = tpu.memref_slice %arg9[%dma_wait3A_339, %dma_wait3A_344] : memref<2x128xi32, #tpu.memory_space<vmem>> -> memref<1x128xi32, #tpu.memory_space<vmem>>
        %dma_wait3A_346 = tpu.memref_squeeze %dma_wait3A_345 : memref<1x128xi32, #tpu.memory_space<vmem>> -> memref<128xi32, #tpu.memory_space<vmem>>
        %dma_wait3A_347 = arith.constant 0 : i32
        %dma_wait3A_348 = arith.constant 0 : i32
        %dma_wait3A_349 = tpu.memref_slice %arg7[%dma_wait3A_347, %dma_wait3A_348] : memref<204800x64xf32, #tpu.memory_space<hbm>> -> memref<204800x64xf32, #tpu.memory_space<hbm>>
        tpu.wait_indirect_dma semaphore(%arg18 : memref<!tpu.dma_semaphore, #tpu.memory_space<semaphore_mem>>) src(%dma_wait3A_343 : memref<128x64xf32, #tpu.memory_space<vmem>>) dst(%dma_wait3A_349 : memref<204800x64xf32, #tpu.memory_space<hbm>>)
      } else {
      }
      %mul3A_244 = arith.constant 200 : i32
      %mul3A_245 = arith.muli %and3A_214, %mul3A_244 : i32
      %add3A_246 = arith.addi %mul3A_245, %shift_right_arithmetic3A_212 : i32
      %add3A_247 = arith.constant 0 : i32
      %add3A_248 = arith.addi %add3A_246, %add3A_247 : i32
      %add3A_249 = vector.broadcast %add3A_248 : i32 to vector<16xi32>
      %add3A_250 = arith.addi %mul3A_5, %add3A_249 : vector<16xi32>
      %swap3A_251 = arith.constant 1 : i32
      %swap3A_252 = arith.index_cast %swap3A_251 : i32 to index
      %swap3A_253 = arith.constant 0 : index
      %swap3A_254 = tpu.vector_load %arg9[%swap3A_252, %swap3A_253] {strides = array<i32>} : memref<2x128xi32, #tpu.memory_space<vmem>>, vector<16xi32>,
      tpu.vector_store %arg9[%swap3A_252, %swap3A_253], %add3A_250 {strides = array<i32>} : memref<2x128xi32, #tpu.memory_space<vmem>>, vector<16xi32>,
      %add3A_255 = arith.constant 3200 : i32
      %add3A_256 = arith.addi %add3A_246, %add3A_255 : i32
      %add3A_257 = vector.broadcast %add3A_256 : i32 to vector<16xi32>
      %add3A_258 = arith.addi %mul3A_5, %add3A_257 : vector<16xi32>
      %swap3A_259 = arith.constant 1 : i32
      %swap3A_260 = arith.index_cast %swap3A_259 : i32 to index
      %swap3A_261 = arith.constant 16 : index
      %swap3A_262 = tpu.vector_load %arg9[%swap3A_260, %swap3A_261] {strides = array<i32>} : memref<2x128xi32, #tpu.memory_space<vmem>>, vector<16xi32>,
      tpu.vector_store %arg9[%swap3A_260, %swap3A_261], %add3A_258 {strides = array<i32>} : memref<2x128xi32, #tpu.memory_space<vmem>>, vector<16xi32>,
      %add3A_263 = arith.constant 6400 : i32
      %add3A_264 = arith.addi %add3A_246, %add3A_263 : i32
      %add3A_265 = vector.broadcast %add3A_264 : i32 to vector<16xi32>
      %add3A_266 = arith.addi %mul3A_5, %add3A_265 : vector<16xi32>
      %swap3A_267 = arith.constant 1 : i32
      %swap3A_268 = arith.index_cast %swap3A_267 : i32 to index
      %swap3A_269 = arith.constant 32 : index
      %swap3A_270 = tpu.vector_load %arg9[%swap3A_268, %swap3A_269] {strides = array<i32>} : memref<2x128xi32, #tpu.memory_space<vmem>>, vector<16xi32>,
      tpu.vector_store %arg9[%swap3A_268, %swap3A_269], %add3A_266 {strides = array<i32>} : memref<2x128xi32, #tpu.memory_space<vmem>>, vector<16xi32>,
      %add3A_271 = arith.constant 9600 : i32
      %add3A_272 = arith.addi %add3A_246, %add3A_271 : i32
      %add3A_273 = vector.broadcast %add3A_272 : i32 to vector<16xi32>
      %add3A_274 = arith.addi %mul3A_5, %add3A_273 : vector<16xi32>
      %swap3A_275 = arith.constant 1 : i32
      %swap3A_276 = arith.index_cast %swap3A_275 : i32 to index
      %swap3A_277 = arith.constant 48 : index
      %swap3A_278 = tpu.vector_load %arg9[%swap3A_276, %swap3A_277] {strides = array<i32>} : memref<2x128xi32, #tpu.memory_space<vmem>>, vector<16xi32>,
      tpu.vector_store %arg9[%swap3A_276, %swap3A_277], %add3A_274 {strides = array<i32>} : memref<2x128xi32, #tpu.memory_space<vmem>>, vector<16xi32>,
      %add3A_279 = arith.constant 12800 : i32
      %add3A_280 = arith.addi %add3A_246, %add3A_279 : i32
      %add3A_281 = vector.broadcast %add3A_280 : i32 to vector<16xi32>
      %add3A_282 = arith.addi %mul3A_5, %add3A_281 : vector<16xi32>
      %swap3A_283 = arith.constant 1 : i32
      %swap3A_284 = arith.index_cast %swap3A_283 : i32 to index
      %swap3A_285 = arith.constant 64 : index
      %swap3A_286 = tpu.vector_load %arg9[%swap3A_284, %swap3A_285] {strides = array<i32>} : memref<2x128xi32, #tpu.memory_space<vmem>>, vector<16xi32>,
      tpu.vector_store %arg9[%swap3A_284, %swap3A_285], %add3A_282 {strides = array<i32>} : memref<2x128xi32, #tpu.memory_space<vmem>>, vector<16xi32>,
      %add3A_287 = arith.constant 16000 : i32
      %add3A_288 = arith.addi %add3A_246, %add3A_287 : i32
      %add3A_289 = vector.broadcast %add3A_288 : i32 to vector<16xi32>
      %add3A_290 = arith.addi %mul3A_5, %add3A_289 : vector<16xi32>
      %swap3A_291 = arith.constant 1 : i32
      %swap3A_292 = arith.index_cast %swap3A_291 : i32 to index
      %swap3A_293 = arith.constant 80 : index
      %swap3A_294 = tpu.vector_load %arg9[%swap3A_292, %swap3A_293] {strides = array<i32>} : memref<2x128xi32, #tpu.memory_space<vmem>>, vector<16xi32>,
      tpu.vector_store %arg9[%swap3A_292, %swap3A_293], %add3A_290 {strides = array<i32>} : memref<2x128xi32, #tpu.memory_space<vmem>>, vector<16xi32>,
      %add3A_295 = arith.constant 19200 : i32
      %add3A_296 = arith.addi %add3A_246, %add3A_295 : i32
      %add3A_297 = vector.broadcast %add3A_296 : i32 to vector<16xi32>
      %add3A_298 = arith.addi %mul3A_5, %add3A_297 : vector<16xi32>
      %swap3A_299 = arith.constant 1 : i32
      %swap3A_300 = arith.index_cast %swap3A_299 : i32 to index
      %swap3A_301 = arith.constant 96 : index
      %swap3A_302 = tpu.vector_load %arg9[%swap3A_300, %swap3A_301] {strides = array<i32>} : memref<2x128xi32, #tpu.memory_space<vmem>>, vector<16xi32>,
      tpu.vector_store %arg9[%swap3A_300, %swap3A_301], %add3A_298 {strides = array<i32>} : memref<2x128xi32, #tpu.memory_space<vmem>>, vector<16xi32>,
      %add3A_303 = arith.constant 22400 : i32
      %add3A_304 = arith.addi %add3A_246, %add3A_303 : i32
      %add3A_305 = vector.broadcast %add3A_304 : i32 to vector<16xi32>
      %add3A_306 = arith.addi %mul3A_5, %add3A_305 : vector<16xi32>
      %swap3A_307 = arith.constant 1 : i32
      %swap3A_308 = arith.index_cast %swap3A_307 : i32 to index
      %swap3A_309 = arith.constant 112 : index
      %swap3A_310 = tpu.vector_load %arg9[%swap3A_308, %swap3A_309] {strides = array<i32>} : memref<2x128xi32, #tpu.memory_space<vmem>>, vector<16xi32>,
      tpu.vector_store %arg9[%swap3A_308, %swap3A_309], %add3A_306 {strides = array<i32>} : memref<2x128xi32, #tpu.memory_space<vmem>>, vector<16xi32>,
      %scan3A_311 = arith.constant 0 : i32
      %scan3A_312 = arith.constant 0 : i32
      %scan3A_313 = arith.constant 128 : i32
      %scan3A_314 = arith.addi %scan3A_312, %scan3A_313 : i32
      %scan3A_315 = arith.constant 1 : i32
      %scan3A_316 = scf.for %scan3A_338 = %scan3A_312 to %scan3A_314 step %scan3A_315 iter_args(%scan3A_339 = %scan3A_311) -> (i32)  : i32 {
        %get3A_340 = arith.constant 1 : i32
        %get3A_341 = arith.index_cast %get3A_340 : i32 to index
        %get3A_342 = arith.index_cast %scan3A_338 : i32 to index
        %get3A_343 = arith.constant 0 : index
        %get3A_344 = tpu.vector_load %arg10[%get3A_341, %get3A_342, %get3A_343] {strides = array<i32>} : memref<2x128x64xf32, #tpu.memory_space<vmem>>, vector<16xf32>,
        %add3A_345 = arith.addf %get3A_344, %get3A_217 : vector<16xf32>
        %get3A_346 = arith.constant 1 : i32
        %get3A_347 = arith.index_cast %get3A_346 : i32 to index
        %get3A_348 = arith.index_cast %scan3A_338 : i32 to index
        %get3A_349 = arith.constant 16 : index
        %get3A_350 = tpu.vector_load %arg10[%get3A_347, %get3A_348, %get3A_349] {strides = array<i32>} : memref<2x128x64xf32, #tpu.memory_space<vmem>>, vector<16xf32>,
        %add3A_351 = arith.addf %get3A_350, %get3A_220 : vector<16xf32>
        %get3A_352 = arith.constant 1 : i32
        %get3A_353 = arith.index_cast %get3A_352 : i32 to index
        %get3A_354 = arith.index_cast %scan3A_338 : i32 to index
        %get3A_355 = arith.constant 32 : index
        %get3A_356 = tpu.vector_load %arg10[%get3A_353, %get3A_354, %get3A_355] {strides = array<i32>} : memref<2x128x64xf32, #tpu.memory_space<vmem>>, vector<16xf32>,
        %add3A_357 = arith.addf %get3A_356, %get3A_223 : vector<16xf32>
        %get3A_358 = arith.constant 1 : i32
        %get3A_359 = arith.index_cast %get3A_358 : i32 to index
        %get3A_360 = arith.index_cast %scan3A_338 : i32 to index
        %get3A_361 = arith.constant 48 : index
        %get3A_362 = tpu.vector_load %arg10[%get3A_359, %get3A_360, %get3A_361] {strides = array<i32>} : memref<2x128x64xf32, #tpu.memory_space<vmem>>, vector<16xf32>,
        %add3A_363 = arith.addf %get3A_362, %get3A_226 : vector<16xf32>
        %mul3A_364 = arith.mulf %add3A_345, %add3A_345 : vector<16xf32>
        %add3A_365 = arith.addf %add3A_345, %add3A_351 : vector<16xf32>
        %mul3A_366 = arith.mulf %add3A_351, %add3A_351 : vector<16xf32>
        %add3A_367 = arith.addf %mul3A_364, %mul3A_366 : vector<16xf32>
        %add3A_368 = arith.addf %add3A_365, %add3A_357 : vector<16xf32>
        %mul3A_369 = arith.mulf %add3A_357, %add3A_357 : vector<16xf32>
        %add3A_370 = arith.addf %add3A_367, %mul3A_369 : vector<16xf32>
        %add3A_371 = arith.addf %add3A_368, %add3A_363 : vector<16xf32>
        %mul3A_372 = arith.mulf %add3A_363, %add3A_363 : vector<16xf32>
        %add3A_373 = arith.addf %add3A_370, %mul3A_372 : vector<16xf32>
        %reduce_sum3A = arith.constant true
        %reduce_sum3A_374 = vector.broadcast %reduce_sum3A : i1 to vector<16xi1>
        %reduce_sum3A_375 = tpu.scan <sum>, %add3A_371 masked %reduce_sum3A_374 : vector<16xf32>, vector<16xi1> -> vector<16xf32>
        %reduce_sum3A_376 = vector.extract %reduce_sum3A_375[15] : f32 from vector<16xf32>
        %mul3A_377 = arith.constant 1.562500e-02 : f32
        %mul3A_378 = arith.mulf %reduce_sum3A_376, %mul3A_377 : f32
        %reduce_sum3A_379 = arith.constant true
        %reduce_sum3A_380 = vector.broadcast %reduce_sum3A_379 : i1 to vector<16xi1>
        %reduce_sum3A_381 = tpu.scan <sum>, %add3A_373 masked %reduce_sum3A_380 : vector<16xf32>, vector<16xi1> -> vector<16xf32>
        %reduce_sum3A_382 = vector.extract %reduce_sum3A_381[15] : f32 from vector<16xf32>
        %mul3A_383 = arith.constant 1.562500e-02 : f32
        %mul3A_384 = arith.mulf %reduce_sum3A_382, %mul3A_383 : f32
        %mul3A_385 = arith.mulf %mul3A_378, %mul3A_378 : f32
        %sub3A = arith.subf %mul3A_384, %mul3A_385 : f32
        %add3A_386 = arith.constant 9.99999974E-6 : f32
        %add3A_387 = arith.addf %sub3A, %add3A_386 : f32
        %bitcast_convert_type3A = arith.bitcast %add3A_387 : f32 to i32
        %shift_right_arithmetic3A_388 = arith.constant 1 : i32
        %shift_right_arithmetic3A_389 = arith.shrsi %bitcast_convert_type3A, %shift_right_arithmetic3A_388 : i32
        %sub3A_390 = arith.constant 1597463007 : i32
        %sub3A_391 = arith.subi %sub3A_390, %shift_right_arithmetic3A_389 : i32
        %bitcast_convert_type3A_392 = arith.bitcast %sub3A_391 : i32 to f32
        %mul3A_393 = arith.constant 5.000000e-01 : f32
        %mul3A_394 = arith.mulf %mul3A_393, %add3A_387 : f32
        %mul3A_395 = arith.mulf %mul3A_394, %bitcast_convert_type3A_392 : f32
        %mul3A_396 = arith.mulf %mul3A_395, %bitcast_convert_type3A_392 : f32
        %sub3A_397 = arith.constant 1.500000e+00 : f32
        %sub3A_398 = arith.subf %sub3A_397, %mul3A_396 : f32
        %mul3A_399 = arith.mulf %bitcast_convert_type3A_392, %sub3A_398 : f32
        %mul3A_400 = arith.constant 5.000000e-01 : f32
        %mul3A_401 = arith.mulf %mul3A_400, %add3A_387 : f32
        %mul3A_402 = arith.mulf %mul3A_401, %mul3A_399 : f32
        %mul3A_403 = arith.mulf %mul3A_402, %mul3A_399 : f32
        %sub3A_404 = arith.constant 1.500000e+00 : f32
        %sub3A_405 = arith.subf %sub3A_404, %mul3A_403 : f32
        %mul3A_406 = arith.mulf %mul3A_399, %sub3A_405 : f32
        %mul3A_407 = arith.constant 5.000000e-01 : f32
        %mul3A_408 = arith.mulf %mul3A_407, %add3A_387 : f32
        %mul3A_409 = arith.mulf %mul3A_408, %mul3A_406 : f32
        %mul3A_410 = arith.mulf %mul3A_409, %mul3A_406 : f32
        %sub3A_411 = arith.constant 1.500000e+00 : f32
        %sub3A_412 = arith.subf %sub3A_411, %mul3A_410 : f32
        %mul3A_413 = arith.mulf %mul3A_406, %sub3A_412 : f32
        %sub3A_414 = vector.broadcast %mul3A_378 : f32 to vector<16xf32>
        %sub3A_415 = arith.subf %add3A_345, %sub3A_414 : vector<16xf32>
        %mul3A_416 = vector.broadcast %mul3A_413 : f32 to vector<16xf32>
        %mul3A_417 = arith.mulf %sub3A_415, %mul3A_416 : vector<16xf32>
        %mul3A_418 = arith.mulf %mul3A_417, %get3A_6 : vector<16xf32>
        %add3A_419 = arith.addf %mul3A_418, %get3A_14 : vector<16xf32>
        %swap3A_420 = arith.constant 1 : i32
        %swap3A_421 = arith.index_cast %swap3A_420 : i32 to index
        %swap3A_422 = arith.index_cast %scan3A_338 : i32 to index
        %swap3A_423 = arith.constant 0 : index
        %swap3A_424 = tpu.vector_load %arg11[%swap3A_421, %swap3A_422, %swap3A_423] {strides = array<i32>} : memref<2x128x64xf32, #tpu.memory_space<vmem>>, vector<16xf32>,
        tpu.vector_store %arg11[%swap3A_421, %swap3A_422, %swap3A_423], %add3A_419 {strides = array<i32>} : memref<2x128x64xf32, #tpu.memory_space<vmem>>, vector<16xf32>,
        %sub3A_425 = vector.broadcast %mul3A_378 : f32 to vector<16xf32>
        %sub3A_426 = arith.subf %add3A_351, %sub3A_425 : vector<16xf32>
        %mul3A_427 = vector.broadcast %mul3A_413 : f32 to vector<16xf32>
        %mul3A_428 = arith.mulf %sub3A_426, %mul3A_427 : vector<16xf32>
        %mul3A_429 = arith.mulf %mul3A_428, %get3A_8 : vector<16xf32>
        %add3A_430 = arith.addf %mul3A_429, %get3A_16 : vector<16xf32>
        %swap3A_431 = arith.constant 1 : i32
        %swap3A_432 = arith.index_cast %swap3A_431 : i32 to index
        %swap3A_433 = arith.index_cast %scan3A_338 : i32 to index
        %swap3A_434 = arith.constant 16 : index
        %swap3A_435 = tpu.vector_load %arg11[%swap3A_432, %swap3A_433, %swap3A_434] {strides = array<i32>} : memref<2x128x64xf32, #tpu.memory_space<vmem>>, vector<16xf32>,
        tpu.vector_store %arg11[%swap3A_432, %swap3A_433, %swap3A_434], %add3A_430 {strides = array<i32>} : memref<2x128x64xf32, #tpu.memory_space<vmem>>, vector<16xf32>,
        %sub3A_436 = vector.broadcast %mul3A_378 : f32 to vector<16xf32>
        %sub3A_437 = arith.subf %add3A_357, %sub3A_436 : vector<16xf32>
        %mul3A_438 = vector.broadcast %mul3A_413 : f32 to vector<16xf32>
        %mul3A_439 = arith.mulf %sub3A_437, %mul3A_438 : vector<16xf32>
        %mul3A_440 = arith.mulf %mul3A_439, %get3A_10 : vector<16xf32>
        %add3A_441 = arith.addf %mul3A_440, %get3A_18 : vector<16xf32>
        %swap3A_442 = arith.constant 1 : i32
        %swap3A_443 = arith.index_cast %swap3A_442 : i32 to index
        %swap3A_444 = arith.index_cast %scan3A_338 : i32 to index
        %swap3A_445 = arith.constant 32 : index
        %swap3A_446 = tpu.vector_load %arg11[%swap3A_443, %swap3A_444, %swap3A_445] {strides = array<i32>} : memref<2x128x64xf32, #tpu.memory_space<vmem>>, vector<16xf32>,
        tpu.vector_store %arg11[%swap3A_443, %swap3A_444, %swap3A_445], %add3A_441 {strides = array<i32>} : memref<2x128x64xf32, #tpu.memory_space<vmem>>, vector<16xf32>,
        %sub3A_447 = vector.broadcast %mul3A_378 : f32 to vector<16xf32>
        %sub3A_448 = arith.subf %add3A_363, %sub3A_447 : vector<16xf32>
        %mul3A_449 = vector.broadcast %mul3A_413 : f32 to vector<16xf32>
        %mul3A_450 = arith.mulf %sub3A_448, %mul3A_449 : vector<16xf32>
        %mul3A_451 = arith.mulf %mul3A_450, %get3A_12 : vector<16xf32>
        %add3A_452 = arith.addf %mul3A_451, %get3A_20 : vector<16xf32>
        %swap3A_453 = arith.constant 1 : i32
        %swap3A_454 = arith.index_cast %swap3A_453 : i32 to index
        %swap3A_455 = arith.index_cast %scan3A_338 : i32 to index
        %swap3A_456 = arith.constant 48 : index
        %swap3A_457 = tpu.vector_load %arg11[%swap3A_454, %swap3A_455, %swap3A_456] {strides = array<i32>} : memref<2x128x64xf32, #tpu.memory_space<vmem>>, vector<16xf32>,
        tpu.vector_store %arg11[%swap3A_454, %swap3A_455, %swap3A_456], %add3A_452 {strides = array<i32>} : memref<2x128x64xf32, #tpu.memory_space<vmem>>, vector<16xf32>,
        %scan3A_458 = arith.constant 0 : i32
        scf.yield %scan3A_458 : i32
      }
      %scan3A_317 = arith.constant 128 : i32
      %dma_start3A_318 = arith.constant 1 : i32
      %dma_start3A_319 = arith.constant 1 : i32
      %dma_start3A_320 = arith.constant 0 : i32
      %dma_start3A_321 = arith.constant 0 : i32
      %dma_start3A_322 = tpu.memref_slice %arg11[%dma_start3A_318, %dma_start3A_320, %dma_start3A_321] : memref<2x128x64xf32, #tpu.memory_space<vmem>> -> memref<1x128x64xf32, #tpu.memory_space<vmem>>
      %dma_start3A_323 = tpu.memref_squeeze %dma_start3A_322 : memref<1x128x64xf32, #tpu.memory_space<vmem>> -> memref<128x64xf32, #tpu.memory_space<vmem>>
      %dma_start3A_324 = arith.constant 0 : i32
      %dma_start3A_325 = tpu.memref_slice %arg9[%dma_start3A_319, %dma_start3A_324] : memref<2x128xi32, #tpu.memory_space<vmem>> -> memref<1x128xi32, #tpu.memory_space<vmem>>
      %dma_start3A_326 = tpu.memref_squeeze %dma_start3A_325 : memref<1x128xi32, #tpu.memory_space<vmem>> -> memref<128xi32, #tpu.memory_space<vmem>>
      %dma_start3A_327 = arith.constant 0 : i32
      %dma_start3A_328 = arith.constant 0 : i32
      %dma_start3A_329 = tpu.memref_slice %arg7[%dma_start3A_327, %dma_start3A_328] : memref<204800x64xf32, #tpu.memory_space<hbm>> -> memref<204800x64xf32, #tpu.memory_space<hbm>>
      tpu.enqueue_indirect_dma source(%dma_start3A_323 : memref<128x64xf32, #tpu.memory_space<vmem>>) target(%dma_start3A_329 : memref<204800x64xf32, #tpu.memory_space<hbm>>) offsets(%dma_start3A_326 : memref<128xi32, #tpu.memory_space<vmem>>) semaphore(%arg18 : memref<!tpu.dma_semaphore, #tpu.memory_space<semaphore_mem>>)
      %add3A_330 = arith.constant 2 : i32
      %add3A_331 = arith.addi %add3A_207, %add3A_330 : i32
      %lt3A_332 = arith.constant 50 : i32
      %lt3A_333 = arith.cmpi slt, %add3A_331, %lt3A_332 : i32
      %convert_element_type3A_334 = arith.extui %lt3A_333 : i1 to i32
      %cond3A_335 = arith.constant 0 : i32
      %cond3A_336 = arith.cmpi ne, %convert_element_type3A_334, %cond3A_335 : i32
      scf.if %cond3A_336 {
        %add3A_338 = arith.constant 2 : i32
        %add3A_339 = arith.addi %add3A_207, %add3A_338 : i32
        %mul3A_340 = arith.constant 128 : i32
        %mul3A_341 = arith.muli %add3A_339, %mul3A_340 : i32
        %add3A_342 = arith.addi %mul3A_2, %mul3A_341 : i32
        %run_scoped3A_343 = arith.constant 1 : i32
        "tpu.region"() ({
          %run_scoped3A_356 = tpu.sem_alloc : memref<!tpu.dma_semaphore, #tpu.memory_space<semaphore_mem>>
          %dma_start3A_357 = arith.constant 0 : i32
          %dma_start3A_358 = tpu.memref_slice %arg8[%run_scoped3A_343, %dma_start3A_357] : memref<2x128xi32, #tpu.memory_space<vmem>> -> memref<1x128xi32, #tpu.memory_space<vmem>>
          %dma_start3A_359 = tpu.memref_squeeze %dma_start3A_358 : memref<1x128xi32, #tpu.memory_space<vmem>> -> memref<128xi32, #tpu.memory_space<vmem>>
          %dma_start3A_360 = tpu.memref_slice %arg2[%add3A_342] : memref<204800xi32, #tpu.memory_space<hbm>> -> memref<128xi32, #tpu.memory_space<hbm>>
          %dma_start3A_361 = arith.constant 0 : i32
          %dma_start3A_362 = tpu.memref_slice %arg8[%run_scoped3A_343, %dma_start3A_361] : memref<2x128xi32, #tpu.memory_space<vmem>> -> memref<1x128xi32, #tpu.memory_space<vmem>>
          %dma_start3A_363 = tpu.memref_squeeze %dma_start3A_362 : memref<1x128xi32, #tpu.memory_space<vmem>> -> memref<128xi32, #tpu.memory_space<vmem>>
          %dma_start3A_364 = tpu.memref_slice %arg2[%add3A_342] : memref<204800xi32, #tpu.memory_space<hbm>> -> memref<128xi32, #tpu.memory_space<hbm>>
          tpu.enqueue_dma source(%dma_start3A_364 : memref<128xi32, #tpu.memory_space<hbm>>) target(%dma_start3A_363 : memref<128xi32, #tpu.memory_space<vmem>>) target_semaphore(%run_scoped3A_356 : memref<!tpu.dma_semaphore, #tpu.memory_space<semaphore_mem>>)
          %dma_wait3A_365 = arith.constant 0 : i32
          %dma_wait3A_366 = tpu.memref_slice %arg8[%run_scoped3A_343, %dma_wait3A_365] : memref<2x128xi32, #tpu.memory_space<vmem>> -> memref<1x128xi32, #tpu.memory_space<vmem>>
          %dma_wait3A_367 = tpu.memref_squeeze %dma_wait3A_366 : memref<1x128xi32, #tpu.memory_space<vmem>> -> memref<128xi32, #tpu.memory_space<vmem>>
          %dma_wait3A_368 = tpu.memref_slice %arg2[%add3A_342] : memref<204800xi32, #tpu.memory_space<hbm>> -> memref<128xi32, #tpu.memory_space<hbm>>
          %dma_wait3A_369 = arith.constant 0 : i32
          %dma_wait3A_370 = tpu.memref_slice %arg8[%run_scoped3A_343, %dma_wait3A_369] : memref<2x128xi32, #tpu.memory_space<vmem>> -> memref<1x128xi32, #tpu.memory_space<vmem>>
          %dma_wait3A_371 = tpu.memref_squeeze %dma_wait3A_370 : memref<1x128xi32, #tpu.memory_space<vmem>> -> memref<128xi32, #tpu.memory_space<vmem>>
          %dma_wait3A_372 = tpu.memref_slice %arg2[%add3A_342] : memref<204800xi32, #tpu.memory_space<hbm>> -> memref<128xi32, #tpu.memory_space<hbm>>
          tpu.wait_dma2 semaphore(%run_scoped3A_356 : memref<!tpu.dma_semaphore, #tpu.memory_space<semaphore_mem>>) src(%dma_wait3A_372 : memref<128xi32, #tpu.memory_space<hbm>>) dst(%dma_wait3A_371 : memref<128xi32, #tpu.memory_space<vmem>>)
          tpu.yield
        }) : () -> ()
        %dma_start3A_344 = arith.constant 1 : i32
        %dma_start3A_345 = arith.constant 1 : i32
        %dma_start3A_346 = arith.constant 0 : i32
        %dma_start3A_347 = arith.constant 0 : i32
        %dma_start3A_348 = tpu.memref_slice %arg10[%dma_start3A_345, %dma_start3A_346, %dma_start3A_347] : memref<2x128x64xf32, #tpu.memory_space<vmem>> -> memref<1x128x64xf32, #tpu.memory_space<vmem>>
        %dma_start3A_349 = tpu.memref_squeeze %dma_start3A_348 : memref<1x128x64xf32, #tpu.memory_space<vmem>> -> memref<128x64xf32, #tpu.memory_space<vmem>>
        %dma_start3A_350 = arith.constant 0 : i32
        %dma_start3A_351 = tpu.memref_slice %arg8[%dma_start3A_344, %dma_start3A_350] : memref<2x128xi32, #tpu.memory_space<vmem>> -> memref<1x128xi32, #tpu.memory_space<vmem>>
        %dma_start3A_352 = tpu.memref_squeeze %dma_start3A_351 : memref<1x128xi32, #tpu.memory_space<vmem>> -> memref<128xi32, #tpu.memory_space<vmem>>
        %dma_start3A_353 = arith.constant 0 : i32
        %dma_start3A_354 = arith.constant 0 : i32
        %dma_start3A_355 = tpu.memref_slice %arg3[%dma_start3A_353, %dma_start3A_354] : memref<2000000x64xf32, #tpu.memory_space<hbm>> -> memref<2000000x64xf32, #tpu.memory_space<hbm>>
        tpu.enqueue_indirect_dma source(%dma_start3A_355 : memref<2000000x64xf32, #tpu.memory_space<hbm>>) target(%dma_start3A_349 : memref<128x64xf32, #tpu.memory_space<vmem>>) offsets(%dma_start3A_352 : memref<128xi32, #tpu.memory_space<vmem>>) semaphore(%arg16 : memref<!tpu.dma_semaphore, #tpu.memory_space<semaphore_mem>>)
      } else {
      }
      %scan3A_337 = arith.constant 0 : i32
      scf.yield %scan3A_337 : i32
    }
    %scan3A_54 = arith.constant 25 : i32
    %dma_wait3A = arith.constant 0 : i32
    %dma_wait3A_55 = arith.constant 0 : i32
    %dma_wait3A_56 = arith.constant 0 : i32
    %dma_wait3A_57 = arith.constant 0 : i32
    %dma_wait3A_58 = tpu.memref_slice %arg11[%dma_wait3A, %dma_wait3A_56, %dma_wait3A_57] : memref<2x128x64xf32, #tpu.memory_space<vmem>> -> memref<1x128x64xf32, #tpu.memory_space<vmem>>
    %dma_wait3A_59 = tpu.memref_squeeze %dma_wait3A_58 : memref<1x128x64xf32, #tpu.memory_space<vmem>> -> memref<128x64xf32, #tpu.memory_space<vmem>>
    %dma_wait3A_60 = arith.constant 0 : i32
    %dma_wait3A_61 = tpu.memref_slice %arg9[%dma_wait3A_55, %dma_wait3A_60] : memref<2x128xi32, #tpu.memory_space<vmem>> -> memref<1x128xi32, #tpu.memory_space<vmem>>
    %dma_wait3A_62 = tpu.memref_squeeze %dma_wait3A_61 : memref<1x128xi32, #tpu.memory_space<vmem>> -> memref<128xi32, #tpu.memory_space<vmem>>
    %dma_wait3A_63 = arith.constant 0 : i32
    %dma_wait3A_64 = arith.constant 0 : i32
    %dma_wait3A_65 = tpu.memref_slice %arg7[%dma_wait3A_63, %dma_wait3A_64] : memref<204800x64xf32, #tpu.memory_space<hbm>> -> memref<204800x64xf32, #tpu.memory_space<hbm>>
    tpu.wait_indirect_dma semaphore(%arg17 : memref<!tpu.dma_semaphore, #tpu.memory_space<semaphore_mem>>) src(%dma_wait3A_59 : memref<128x64xf32, #tpu.memory_space<vmem>>) dst(%dma_wait3A_65 : memref<204800x64xf32, #tpu.memory_space<hbm>>)
    %dma_wait3A_66 = arith.constant 1 : i32
    %dma_wait3A_67 = arith.constant 1 : i32
    %dma_wait3A_68 = arith.constant 0 : i32
    %dma_wait3A_69 = arith.constant 0 : i32
    %dma_wait3A_70 = tpu.memref_slice %arg11[%dma_wait3A_66, %dma_wait3A_68, %dma_wait3A_69] : memref<2x128x64xf32, #tpu.memory_space<vmem>> -> memref<1x128x64xf32, #tpu.memory_space<vmem>>
    %dma_wait3A_71 = tpu.memref_squeeze %dma_wait3A_70 : memref<1x128x64xf32, #tpu.memory_space<vmem>> -> memref<128x64xf32, #tpu.memory_space<vmem>>
    %dma_wait3A_72 = arith.constant 0 : i32
    %dma_wait3A_73 = tpu.memref_slice %arg9[%dma_wait3A_67, %dma_wait3A_72] : memref<2x128xi32, #tpu.memory_space<vmem>> -> memref<1x128xi32, #tpu.memory_space<vmem>>
    %dma_wait3A_74 = tpu.memref_squeeze %dma_wait3A_73 : memref<1x128xi32, #tpu.memory_space<vmem>> -> memref<128xi32, #tpu.memory_space<vmem>>
    %dma_wait3A_75 = arith.constant 0 : i32
    %dma_wait3A_76 = arith.constant 0 : i32
    %dma_wait3A_77 = tpu.memref_slice %arg7[%dma_wait3A_75, %dma_wait3A_76] : memref<204800x64xf32, #tpu.memory_space<hbm>> -> memref<204800x64xf32, #tpu.memory_space<hbm>>
    tpu.wait_indirect_dma semaphore(%arg18 : memref<!tpu.dma_semaphore, #tpu.memory_space<semaphore_mem>>) src(%dma_wait3A_71 : memref<128x64xf32, #tpu.memory_space<vmem>>) dst(%dma_wait3A_77 : memref<204800x64xf32, #tpu.memory_space<hbm>>)
    return
  }
}

</mosaic_0001>

<sc_bundles>
// kernel: kernel.3.cloned.1.call-start
scs
__scs_entry_jumppad:
0x0: {  	(pc) =	sbr.rel $0x88, $3  }
0x1: {  	(tag) =	ssettag $0x0;
	lr =	simm.s32 $0x1  }
0x2: {  	[smem:$0x3F9C] =	sst lr;
	_ =	strace $0xD0000000  }
0x3: {  	_ = 	snop  }
0x4: {  	_ = 	snop  }
0x5: {  	_ = 	snop  }
0x6: {  	_ = 	snop  }
0x7: {  	_ = 	snop  }
__scs_overlays_trampoline_lowered:
0x8: {  	[smem:$0x3FAB] =	sst s0  }
0x9: {  	[smem:$0x3FAC] =	sst s1  }
0xa: {  	[smem:$0x3FAD] =	sst s2  }
0xb: {  	[smem:$0x3FAE] =	sst s3  }
0xc: {  	[smem:$0x3FAF] =	sst s4  }
0xd: {  	[smem:$0x3FB0] =	sst s5  }
0xe: {  	[smem:$0x3FB1] =	sst s6  }
0xf: {  	[smem:$0x3FB2] =	sst s7  }
0x10: {  	[smem:$0x3FB3] =	sst s8  }
0x11: {  	[smem:$0x3FB4] =	sst s9;
	s0 =	simm.s32 @!p0 $0x0  }
0x12: {  	s1 =	sld [smem:$0x3F9A];
	s0 =	simm.s32 @p0 $0x1  }
0x13: {  	[smem:$0x3FB5] =	sst s0;
	s0 =	simm.s32 @!p1 $0x0  }
0x14: {  	s2 =	sld [smem:$0x3F99];
	s0 =	simm.s32 @p1 $0x1  }
0x15: {  	[smem:$0x3FB6] =	sst s0;
	s0 =	simm.s32 @!p2 $0x0  }
0x16: {  	s3 =	sld [smem:$0x3FDB];
	s0 =	simm.s32 @p2 $0x1  }
0x17: {  	s4 =	simm.s32 $0x1BF5;
	[smem:$0x3FB8] =	sst s0  }
0x18: {  	s0 =	sld [smem:$0x3F9B];
	_ =	swait.ge [sflag:s4], $0x0  }
0x19: {  	s7 =	sld [smem:$0x3F9C]  }
0x1a: {  	s8 =	sadd.s32 $0xFFFFE003, lr  }
0x1b: {  	s9 =	sadd.s32 $0xFFFFFEF7, lr;
	s5 =	simm.s32 $0xFFFFFFFF;
	p2 =	slt.u32 s8, $0xFFFFF086  }
0x1c: {  	p1 =	slt.u32 s9, $0xF7A;
	s5 =	simm.s32 @!p2 $0x0  }
0x1d: {  	s5 =	simm.s32 @p1 $0x1;
	p0 =	seq.s32 s7, s2  }
0x1e: {  	s7 =	smul.u32 @!p0 $0xF7A, s2;
	p2 =	seq.s32 @!p0 s5, $0x0  }
0x1f: {  	s9 =	smul.u32 $0xF7A, s1;
	s8 =	simm.s32 @!p0 $0x1BF5;
	p2 =	por !p2, p0  }
0x20: {  	[sflag:s8] =	ssyncset.s32 @!p0 $0xFFFFF086;
	s6 =	sadd.s32 @!p0 s3, s7;
	s7 =	simm.s32 @!p0 $0x108  }
0x21: {  	s3 =	sadd.s32 s3, s9;
	s6 =	sadd.s32 @!p0 $0x88, s6;
	s7 =	simm.s32 @p2 $0x1082  }
0x22: {  	[simem:s7], [sflag:s8] =	dma.local @!p0 [hbm:s6], $0xF7A  }
0x23: {  	s9 =	sor.u32 $0xD0000000, s2;
	s6 =	simm.s32 $0x108;
	_ =	swait.ge @!p0 [sflag:s8], $0x0  }
0x24: {  	s3 =	sadd.s32 $0x88, s3;
	s6 =	simm.s32 @!p1 $0x1082;
	[sflag:s4] =	ssyncset.s32 $0xFFFFF086  }
0x25: {  	[simem:s6], [sflag:s4] =	dma.local [hbm:s3], $0xF7A  }
0x26: {  	[smem:$0x3F9C] =	sst s1;
	(tag) =	ssettag s2;
	_ =	strace s9  }
0x27: {  	s1 =	sld [smem:$0x3FAC]  }
0x28: {  	s2 =	sld [smem:$0x3FAD]  }
0x29: {  	s4 =	sld [smem:$0x3FAF]  }
0x2a: {  	p0 =	seq.s32 s5, $0x0;
	s5 =	sld [smem:$0x3FB0]  }
0x2b: {  	s6 =	sld [smem:$0x3FB1]  }
0x2c: {  	s7 =	sld [smem:$0x3FB2]  }
0x2d: {  	s3 =	simm.s32 $0x108;
	s8 =	sld [smem:$0x3FB3]  }
0x2e: {  	s3 =	simm.s32 @!p0 $0x1082;
	s9 =	sld [smem:$0x3FB4]  }
0x2f: {  	lr =	sadd.s32 s0, s3;
	s0 =	sld [smem:$0x3FAB]  }
0x30: {  	s3 =	sld [smem:$0x3FAE]  }
0x31: {  	[smem:$0x3FB7] =	sst s10  }
0x32: {  	s10 =	sld [smem:$0x3FB5];
	_ =	sdelay $0x3  }
0x33: {  	p0 =	seq.s32 s10, $0x1;
	s10 =	sld [smem:$0x3FB7];
	_ =	sdelay $0x3  }
0x34: {  	[smem:$0x3FB7] =	sst s10  }
0x35: {  	s10 =	sld [smem:$0x3FB6];
	_ =	sdelay $0x3  }
0x36: {  	p1 =	seq.s32 s10, $0x1;
	s10 =	sld [smem:$0x3FB7];
	_ =	sdelay $0x3  }
0x37: {  	[smem:$0x3FB7] =	sst s10  }
0x38: {  	s10 =	sld [smem:$0x3FB8]  }
0x39: {  	_ = 	snop;
	(pc) =	sbr.ind lr, $3  }
0x3a: {  	_ = 	snop  }
0x3b: {  	_ = 	snop  }
0x3c: {  	p2 =	seq.s32 s10, $0x1;
	s10 =	sld [smem:$0x3FB7]  }
0x3d: {  	_ =	shalt  }
0x3e: {  	_ =	shalt  }
0x3f: {  	_ =	shalt  }
0x40: {  	_ =	shalt  }
0x41: {  	_ =	shalt  }
0x42: {  	_ =	shalt  }
0x43: {  	_ =	shalt  }
0x44: {  	_ =	shalt  }
0x45: {  	_ =	shalt  }
0x46: {  	_ =	shalt  }
0x47: {  	_ =	shalt  }
0x48: {  	_ =	shalt  }
0x49: {  	_ =	shalt  }
0x4a: {  	_ =	shalt  }
0x4b: {  	_ =	shalt  }
0x4c: {  	_ =	shalt  }
0x4d: {  	_ =	shalt  }
0x4e: {  	_ =	shalt  }
0x4f: {  	_ =	shalt  }
0x50: {  	_ =	shalt  }
0x51: {  	_ =	shalt  }
0x52: {  	_ =	shalt  }
0x53: {  	_ =	shalt  }
0x54: {  	_ =	shalt  }
0x55: {  	_ =	shalt  }
0x56: {  	_ =	shalt  }
0x57: {  	_ =	shalt  }
0x58: {  	_ =	shalt  }
0x59: {  	_ =	shalt  }
0x5a: {  	_ =	shalt  }
0x5b: {  	_ =	shalt  }
0x5c: {  	_ =	shalt  }
0x5d: {  	_ =	shalt  }
0x5e: {  	_ =	shalt  }
0x5f: {  	_ =	shalt  }
0x60: {  	_ =	shalt  }
0x61: {  	_ =	shalt  }
0x62: {  	_ =	shalt  }
0x63: {  	_ =	shalt  }
0x64: {  	_ =	shalt  }
0x65: {  	_ =	shalt  }
0x66: {  	_ =	shalt  }
0x67: {  	_ =	shalt  }
0x68: {  	_ =	shalt  }
0x69: {  	_ =	shalt  }
0x6a: {  	_ =	shalt  }
0x6b: {  	_ =	shalt  }
0x6c: {  	_ =	shalt  }
0x6d: {  	_ =	shalt  }
0x6e: {  	_ =	shalt  }
0x6f: {  	_ =	shalt  }
0x70: {  	_ =	shalt  }
0x71: {  	_ =	shalt  }
0x72: {  	_ =	shalt  }
0x73: {  	_ =	shalt  }
0x74: {  	_ =	shalt  }
0x75: {  	_ =	shalt  }
0x76: {  	_ =	shalt  }
0x77: {  	_ =	shalt  }
0x78: {  	_ =	shalt  }
0x79: {  	_ =	shalt  }
0x7a: {  	_ =	shalt  }
0x7b: {  	_ =	shalt  }
0x7c: {  	_ =	shalt  }
0x7d: {  	_ =	shalt  }
0x7e: {  	_ =	shalt  }
0x7f: {  	_ =	shalt  }
0x80: {  	_ =	shalt  }
0x81: {  	_ =	shalt  }
0x82: {  	_ =	shalt  }
0x83: {  	_ =	shalt  }
0x84: {  	_ =	shalt  }
0x85: {  	_ =	shalt  }
0x86: {  	_ =	shalt  }
0x87: {  	_ =	shalt  }
.Lfunc_end0:
.L_simem_size_0:
called_computation.2_lowered:
.L_overlay_start_0:
0x88: {  	s2 =	sld [smem:$0x3FD9]  }
0x89: {  	s3 =	sld [smem:$0x3FFE];
	_ =	sdelay $0x1  }
0x8a: {  	s1 =	srdreg.scid  }
0x8b: {  	s0 =	sand.u32 $0x1, s1  }
0x8c: {  	s17 =	sshll.u32 s0, $0xA;
	s2 =	sadd.s32 s3, s2  }
0x8d: {  	s2 =	sadd.s32 s2, s17  }
0x8e: {  	[smem:$0x3FC3] =	sst s2  }
0x8f: {  	_ = 	snop  }
0x90: {  	s2 =	sld [smem:$0x3FC6]  }
0x91: {  	s18 =	sld [smem:$0x3FC5]  }
0x92: {  	s4 =	sld [smem:$0x3FD0];
	(tm) =	ssettm $0x1  }
0x93: {  	s5 =	sld [smem:$0x3FFB];
	_ =	sdelay $0x3  }
0x94: {  	_ =	strace s5  }
0x95: {  	s5 =	sld [smem:$0x3FFC];
	_ =	sdelay $0x3  }
0x96: {  	_ =	strace s5  }
0x97: {  	s5 =	sld [smem:$0x3FFD];
	_ =	sdelay $0x3  }
0x98: {  	_ =	strace s5  }
0x99: {  	_ =	strace $0x8FFFFFFF  }
0x9a: {  	s19 =	sld [smem:$0x3FDB];
	_ =	sdelay $0x1  }
0x9b: {  	s6 =	simm.s32 $_scs_section_size  }
0x9c: {  	s7 =	simm.s32 $_size__tile_overlayer_lowered;
	s8 =	simm.s32 $_tile_overlayer_lowered  }
0x9d: {  	s22 =	simm.s32 $0x1BFF;
	s21 =	sshll.u32 s8, $0x1;
	s5 =	sadd.s32 s6, s19  }
0x9e: {  	s9 =	simm.s32 $0x0;
	s20 =	sshll.u32 s7, $0x1;
	s7 =	sadd.s32 s21, s5  }
0x9f: {  	[timem:s9], [sflag:s22] =	dma.local [hbm:s7], s20  }
0xa0: {  	_ =	swait.ge [sflag:s22], s20  }
0xa1: {  	s6 =	ssub.s32 $0x0, s20;
	[sflag:s22] =	ssyncset.done $0x0  }
0xa2: {  	[sflag:s22] =	ssyncadd.s32 s6;
	_ =	sdelay $0x1  }
0xa3: {  	s23 =	simm.s32 $0x1B8B  }
0xa4: {  	_ =	swait.ge [sflag:s23], $0x1  }
0xa5: {  	[sflag:s23] =	ssyncset.done $0x0  }
0xa6: {  	s25 =	simm.s32 $0x1B8E;
	s24 =	sld [smem:$0x3FFE];
	[sflag:s23] =	ssyncadd.s32 $0xFFFFFFFF  }
0xa7: {  	s26 =	simm.s32 $execute0_lowered;
	[smem:$0x3FD2] =	sst s25  }
0xa8: {  	s7 =	sshll.u32 s26, $0x1;
	_ =	strace $0x80000049;
	[dreg:$0x1] =	wrdreg $0xFFFFFFFF  }
0xa9: {  	s28 =	simm.s32 $_size_execute0_lowered;
	s5 =	sadd.s32 s5, s7;
	[dreg:$0x0] =	wrdreg $0x0  }
0xaa: {  	s7 =	sshll.u32 s28, $0x1;
	[dreg:$0x2] =	wrdreg s5  }
0xab: {  	[dreg:$0x3] =	wrdreg s7  }
0xac: {  	[dreg:$0x4] =	wrdreg $0xC0  }
0xad: {  	_ =	task [dreg:s9], $0x5FFFF  }
0xae: {  	[dreg:$0x1] =	wrdreg $0xFFFFFFFF  }
0xaf: {  	[dreg:$0x0] =	wrdreg $0x60  }
0xb0: {  	[dreg:$0x2] =	wrdreg s24  }
0xb1: {  	[dreg:$0x3] =	wrdreg s2  }
0xb2: {  	[dreg:$0x4] =	wrdreg s18  }
0xb3: {  	[dreg:$0x5] =	wrdreg s4  }
0xb4: {  	[dreg:$0x6] =	wrdreg $0x9  }
0xb5: {  	_ =	task.clear_ibuf [dreg:s9], $0x7FFFF;
	_ =	strace $0x90000049  }
0xb6: {  	s29 =	simm.s32 $0x9;
	_ =	strace $0x8000004B  }
0xb7: {  	_ =	swait.ge [sflag:s29], $0x1  }
0xb8: {  	[sflag:s29] =	ssyncadd.s32 $0xFFFFFFFF  }
0xb9: {  	_ =	strace $0x9000004B  }
0xba: {  	_ =	sfence  }
0xbb: {  	s30 =	sld [smem:$0x0];
	_ =	sdelay $0x2  }
0xbc: {  	s31 =	sshll.u32 s1, $0xD;
	s1 =	sshrl.u32 s1, $0x2  }
0xbd: {  	s3 =	sand.u32 $0x4000, s31;
	s1 =	sadd.s32 s1, s30  }
0xbe: {  	s0 =	sor.u32 s3, s0;
	s1 =	sshll.u32 s1, $0x11  }
0xbf: {  	s0 =	sor.u32 s1, s0  }
0xc0: {  	s0 =	sadd.s32 $0x8F2B, s0  }
0xc1: {  	[sflag:s0] =	ssyncadd.remote.s32 $0x1  }
0xc2: {  	_ =	sfence.sel $0xFFFF  }
0xc3: {  	[dreg:$0x0] =	wrdreg $0xFFFFFFFF;
	(pc) =	sbr.abs _section_cstart, $3  }
0xc4: {  	[dreg:$0x1] =	wrdreg $0xFFFFFFFF  }
0xc5: {  	_ =	task.clear_ibuf [dreg:s9], $0x2FFFF;
	_ =	strace $0x9FFFFFFF  }
0xc6: {  	(tm) =	ssettm $0x7FFFFFFF  }
0xc7: {  	_ =	shalt  }
tec
execute0_lowered:
.L_overlay_start_1:
0x0: {  	(tag) =	ssettag $0x1  }
0x1: {  	s0 =	rddreg [dreg:$0x0]  }
0x2: {  	s1 =	srdreg.scid;
	s2 =	stileid.u32  }
0x3: {  	s3 =	simm.s32 $0x0;
	s1 =	sand.u32 $0x1, s1;
	s2 =	sshll.u32 s2, $0x1  }
0x4: {  	[smem:$0x7FF] =	sst s3;
	s7 =	sadd.s32 $0xF43400, s0;
	s2 =	sor.u32 s1, s2  }
0x5: {  	s8 =	sadd.s32 $0xF4A000, s0;
	s1 =	ssub.s32 $0x2, s1;
	s6 =	smul.u32 $0x1900, s2  }
0x6: {  	s0 =	sadd.s32 $0xF49800, s0;
	_ =	strace $0x8000004A;
	s28 =	sshrl.u32 s1, $0x1  }
0x7: {  	[dreg:$0x5] =	wrdreg s0;
	s0 =	ssub.s32 s1, s28;
	s30 =	sadd.s32 $0x100, s6  }
.Ltmp0:
0x8: {  	s31 =	sadd.s32 $0x180, s6;
	[dreg:$0x8] =	wrdreg s30;
	(pc) =	sbr.rel .LBB2_1-.Ltmp0, $4  }
0x9: {  	s2 =	sshrl.u32 s6, $0x3;
	s0 =	smax.u32 s0, $0x1;
	[dreg:$0x9] =	wrdreg s31  }
0xa: {  	s2 =	sadd.s32 s7, s2;
	[dreg:$0xa] =	wrdreg s0  }
0xb: {  	v0 =	vlaneseq.u32;
	[dreg:$0x6] =	wrdreg s2;
	s29 =	sadd.s32 $0x10, s2  }
0xc: {  	s19 =	simm.s32 $0x80;
	v0 =	vmul.u32 $0xC8, v0;
	s2 =	simm.s32 $0x0;
	[dreg:$0x7] =	wrdreg s29  }
.LBB2_8:
0xd: {  	s0 =	simm.s32 $0x3  }
0xe: {  	_ =	swait.ge [sflag:s0], $0x2000  }
0xf: {  	[sflag:s0] =	ssyncset.done $0x0  }
0x10: {  	s1 =	simm.s32 $0x4;
	[sflag:s0] =	ssyncadd.s32 $0xFFFFE000  }
0x11: {  	_ =	swait.ge [sflag:s1], $0x2000  }
0x12: {  	s2 =	rddreg [dreg:$0xb]  }
0x13: {  	s31 =	rddreg [dreg:$0xa];
	s2 =	sadd.s32 $0x1, s2  }
0x14: {  	p0 =	sne.s32 s2, s31  }
.Ltmp1:
0x15: {  	_ = 	snop;
	(pc) =	sbr.rel @!p0 .LBB2_9-.Ltmp1, $3  }
0x16: {  	_ =	sdelay $0x1  }
0x17: {  	[sflag:s1] =	ssyncset.done $0x0  }
0x18: {  	[sflag:s1] =	ssyncadd.s32 $0xFFFFE000  }
.LBB2_1:
0x19: {  	[dreg:$0xb] =	wrdreg s2;
	s1 =	simm.s32 $0x0  }
0x1a: {  	s0 =	rddreg [dreg:$0x5];
	s22 =	simm.s32 $0x8200;
	s23 =	simm.s32 $0x5  }
0x1b: {  	[tilespmem:s22], [sflag:$0x5] =	stream.linear.gather [hbm4b:s0+s1], $0x3200, $0x38;
	[tilespmem:$0xB480] =	vst v63  }
0x1c: {  	_ =	swait.ge [sflag:s23], $0x3200  }
0x1d: {  	[sflag:s23] =	ssyncset.done $0x0  }
0x1e: {  	[sflag:s23] =	ssyncadd.s32 $0xFFFFCE00  }
0x1f: {  	s3 =	simm.s32 $0xB400;
	s24 =	rddreg [dreg:$0x1]  }
0x20: {  	[tilespmem:s3], [sflag:$0x5] =	stream.linear.gather [hbm4b:s24+s1], $0x40, $0x38;
	[tilespmem:$0xB480] =	vst v63  }
0x21: {  	_ =	swait.ge [sflag:s23], $0x40  }
0x22: {  	[sflag:s23] =	ssyncset.done $0x0  }
0x23: {  	[sflag:s23] =	ssyncadd.s32 $0xFFFFFFC0  }
0x24: {  	s26 =	simm.s32 $0xB440;
	s25 =	rddreg [dreg:$0x2]  }
0x25: {  	[tilespmem:s26], [sflag:$0x5] =	stream.linear.gather [hbm4b:s25+s1], $0x40, $0x38;
	[tilespmem:$0xB480] =	vst v63  }
0x26: {  	_ =	swait.ge [sflag:s23], $0x40  }
0x27: {  	[sflag:s23] =	ssyncset.done $0x0  }
0x28: {  	[sflag:s23] =	ssyncadd.s32 $0xFFFFFFC0  }
0x29: {  	v1 =	vld [tilespmem:$0xB400]  }
0x2a: {  	v2 =	vld [tilespmem:$0xB410]  }
0x2b: {  	v3 =	vld [tilespmem:$0xB420]  }
0x2c: {  	v4 =	vld [tilespmem:$0xB430]  }
0x2d: {  	v5 =	vld [tilespmem:$0xB440]  }
0x2e: {  	v6 =	vld [tilespmem:$0xB450]  }
0x2f: {  	s28 =	rddreg [dreg:$0x6];
	v7 =	vld [tilespmem:$0xB460]  }
0x30: {  	v8 =	vld [tilespmem:$0xB470];
	[tilespmem:s1], [sflag:$0x5] =	stream.linear.gather [hbm4b:s28+s1], $0x80, $0x38  }
0x31: {  	_ =	swait.ge [sflag:s23], $0x80  }
0x32: {  	[sflag:s23] =	ssyncset.done $0x0  }
0x33: {  	s29 =	simm.s32 $0x200;
	[sflag:s23] =	ssyncadd.s32 $0xFFFFFF80  }
0x34: {  	[tilespmem:s29], [sflag:$0x1] =	stream.indirect.gather [hbm4b:s8+s19], $0x40, s1, s19, $0xb8;
	[tilespmem:$0xB480] =	vst v63  }
0x35: {  	s30 =	rddreg [dreg:$0x7]  }
0x36: {  	[tilespmem:s19], [sflag:$0x5] =	stream.linear.gather [hbm4b:s30+s1], $0x80, $0x38;
	[tilespmem:$0xB480] =	vst v63  }
0x37: {  	_ =	swait.ge [sflag:s23], $0x80  }
0x38: {  	[sflag:s23] =	ssyncset.done $0x0  }
0x39: {  	s31 =	simm.s32 $0x2200;
	s2 =	simm.s32 $0x0;
	[sflag:s23] =	ssyncadd.s32 $0xFFFFFF80  }
0x3a: {  	[tilespmem:s31], [sflag:$0x2] =	stream.indirect.gather [hbm4b:s8+s19], $0x40, s19, s19, $0xb8;
	[tilespmem:$0xB480] =	vst v63  }
.LBB2_2:
0x3b: {  	s0 =	sshll.u32 s2, $0x8  }
0x3c: {  	s1 =	sadd.s32 s6, s0  }
0x3d: {  	s3 =	sshrl.u32 s1, $0xA  }
0x3e: {  	s9 =	sshll.u32 s3, $0x6  }
0x3f: {  	v20 =	vld [tilespmem:s9+$0x8200]  }
0x40: {  	v21 =	vld [tilespmem:s9+$0x8210]  }
0x41: {  	s4 =	simm.s32 $0x1;
	v24 =	vld [tilespmem:s9+$0x8220]  }
0x42: {  	v23 =	vld [tilespmem:s9+$0x8230];
	_ =	swait.ge [sflag:s4], $0x2000  }
0x43: {  	p0 =	seq.s32 s2, $0x0;
	s1 =	sand.u32 $0x300, s1;
	[sflag:s4] =	ssyncset.done $0x0  }
0x44: {  	s1 =	smul.u32 $0xC8, s1;
	s9 =	simm.s32 @!p0 $0x3;
	[sflag:s4] =	ssyncadd.s32 $0xFFFFE000  }
0x45: {  	_ =	swait.ge @!p0 [sflag:s9], $0x2000  }
0x46: {  	s1 =	sadd.s32 s3, s1;
	[sflag:s9] =	ssyncset.done @!p0 $0x0  }
0x47: {  	v9 =	vadd.s32 s1, v0;
	s3 =	sadd.s32 $0xC80, s1;
	[sflag:s9] =	ssyncadd.s32 @!p0 $0xFFFFE000  }
0x48: {  	s20 =	sadd.s32 $0x1900, s1;
	[tilespmem:$0x100] =	vst v9;
	v9 =	vadd.s32 s3, v0  }
0x49: {  	s21 =	sadd.s32 $0x2580, s1;
	[tilespmem:$0x110] =	vst v9;
	v9 =	vadd.s32 s20, v0  }
0x4a: {  	s22 =	sadd.s32 $0x3200, s1;
	[tilespmem:$0x120] =	vst v9;
	v9 =	vadd.s32 s21, v0  }
0x4b: {  	s23 =	sadd.s32 $0x3E80, s1;
	[tilespmem:$0x130] =	vst v9;
	v9 =	vadd.s32 s22, v0  }
0x4c: {  	s24 =	sadd.s32 $0x4B00, s1;
	[tilespmem:$0x140] =	vst v9;
	v9 =	vadd.s32 s23, v0  }
0x4d: {  	s1 =	sadd.s32 $0x5780, s1;
	[tilespmem:$0x150] =	vst v9;
	v9 =	vadd.s32 s24, v0  }
0x4e: {  	[tilespmem:$0x160] =	vst v9;
	v9 =	vadd.s32 s1, v0  }
0x4f: {  	s3 =	simm.s32 $0x0;
	[tilespmem:$0x170] =	vst v9  }
0x50: {  	v9 =	vld [tilespmem:s3+$0x200]  }
0x51: {  	v10 =	vld [tilespmem:s3+$0x210]  }
0x52: {  	v11 =	vld [tilespmem:s3+$0x220];
	_ =	sdelay $0x1  }
0x53: {  	v12 =	vld [tilespmem:s3+$0x230];
	_ =	sdelay $0x1  }
0x54: {  	v35 =	vadd.f32 v9, v20;
	v32 =	vadd.f32 v10, v21  }
0x55: {  	v34 =	vadd.f32 v11, v24  }
0x56: {  	v9 =	vadd.f32 v32, v35;
	v10 =	vmul.f32 v35, v35;
	v11 =	vmul.f32 v32, v32  }
0x57: {  	v36 =	vadd.f32 v12, v23  }
0x58: {  	s15 =	simm.s32 $0x40;
	v9 =	vadd.f32 v34, v9;
	v10 =	vadd.f32 v11, v10;
	v11 =	vmul.f32 v34, v34  }
0x59: {  	v13 =	vld [tilespmem:s15+$0x210]  }
0x5a: {  	v12 =	vld [tilespmem:s15+$0x200];
	v9 =	vadd.f32 v36, v9;
	v10 =	vadd.f32 v11, v10;
	v11 =	vmul.f32 v36, v36;
	_ =	sdelay $0x1  }
0x5b: {  	(xrf2) =	vadd.scan.msk.f32 $0xffff, v9;
	v9 =	vadd.f32 v11, v10;
	v10 =	vld [tilespmem:s15+$0x220];
	_ =	sdelay $0x1  }
0x5c: {  	(xrf2) =	vadd.scan.msk.f32 $0xffff, v9;
	v9 =	vld [tilespmem:s15+$0x230]  }
0x5d: {  	v28 =	vadd.f32 v13, v21;
	v19 =	vadd.f32 v12, v20;
	_ =	sdelay $0x1  }
0x5e: {  	v33 =	vadd.f32 v10, v24;
	v10 =	vadd.f32 v28, v19  }
0x5f: {  	s17 =	simm.s32 $0x80  }
0x60: {  	v14 =	vld [tilespmem:s17+$0x210];
	v16 =	vadd.f32 v9, v23;
	v9 =	vadd.f32 v33, v10  }
0x61: {  	v13 =	vmul.f32 v28, v28;
	v12 =	vmul.f32 v19, v19;
	v11 =	vld [tilespmem:s17+$0x200]  }
0x62: {  	v9 =	vadd.f32 v16, v9  }
0x63: {  	v10 =	vadd.f32 v13, v12;
	v12 =	vmul.f32 v33, v33;
	v13 =	vld [tilespmem:s17+$0x220]  }
0x64: {  	v15, _, _ =	vpop (xrf2)  }
0x65: {  	v17 =	vld [tilespmem:s17+$0x230];
	v10 =	vadd.f32 v12, v10;
	(v2sf) =	vpush v15, $0xF;
	v15 =	vmul.f32 v16, v16  }
0x66: {  	v11 =	vadd.f32 v11, v20;
	v12 =	vadd.f32 v14, v21;
	(xrf2) =	vadd.scan.msk.f32 $0xffff, v9;
	v9, _, _ =	vpop (xrf2)  }
0x67: {  	(v2sf) =	vpush v9, $0xF;
	v9 =	vadd.f32 v15, v10  }
0x68: {  	v15 =	vadd.f32 v13, v24;
	v10 =	vadd.f32 v12, v11;
	_ =	sdelay $0x1  }
0x69: {  	v18 =	vadd.f32 v17, v23;
	(xrf2) =	vadd.scan.msk.f32 $0xffff, v9;
	v9 =	vadd.f32 v15, v10;
	_ =	sdelay $0x1  }
0x6a: {  	s1 =	simm.s32 $0xC0;
	v9 =	vadd.f32 v18, v9  }
0x6b: {  	v13 =	vld [tilespmem:s1+$0x200]  }
0x6c: {  	v17 =	vld [tilespmem:s1+$0x210];
	v14 =	vmul.f32 v12, v12;
	v10 =	vmul.f32 v11, v11;
	(xrf2) =	vadd.scan.msk.f32 $0xffff, v9  }
0x6d: {  	v22 =	vld [tilespmem:s1+$0x220]  }
0x6e: {  	v10 =	vadd.f32 v14, v10;
	v14 =	vmul.f32 v15, v15;
	v9, _, _ =	vpop (xrf2)  }
0x6f: {  	(v2sf) =	vpush v9, $0xF  }
0x70: {  	v10 =	vadd.f32 v14, v10;
	v14 =	vmul.f32 v18, v18;
	v9 =	vadd.f32 v13, v20;
	v13 =	vld [tilespmem:s1+$0x230]  }
0x71: {  	v25 =	vadd.f32 v17, v21  }
0x72: {  	v14 =	vadd.f32 v14, v10;
	v10 =	vadd.f32 v22, v24;
	s25 =	spop (v2sf);
	v26, _, _ =	vpop (xrf2)  }
0x73: {  	v22 =	vadd.f32 v25, v9;
	s9 =	smul.f32 $1.562500000e-02, s25;
	(v2sf) =	vpush v26, $0xF  }
0x74: {  	(xrf2) =	vadd.scan.msk.f32 $0xffff, v14  }
0x75: {  	v17 =	vadd.f32 v13, v23;
	v13 =	vadd.f32 v10, v22;
	s10 =	smul.f32 s9, s9;
	s11 =	spop (v2sf)  }
0x76: {  	s11 =	smul.f32 $1.562500000e-02, s11;
	v14, _, _ =	vpop (xrf2)  }
0x77: {  	v13 =	vadd.f32 v17, v13;
	(v2sf) =	vpush v14, $0xF  }
0x78: {  	s18 =	simm.s32 $0x100;
	v22 =	vmul.f32 v25, v25;
	v14 =	vmul.f32 v9, v9;
	s10 =	ssub.f32 s11, s10  }
0x79: {  	(xrf2) =	vadd.scan.msk.f32 $0xffff, v13;
	v13 =	vld [tilespmem:s18+$0x200]  }
0x7a: {  	v26 =	vld [tilespmem:s18+$0x210];
	v14 =	vadd.f32 v22, v14;
	v22 =	vmul.f32 v10, v10;
	s10 =	sadd.f32 $9.999999740e-06, s10;
	_ =	sdelay $0x1  }
0x7b: {  	v29 =	vld [tilespmem:s18+$0x220];
	v14 =	vadd.f32 v22, v14;
	v22 =	vmul.f32 v17, v17;
	s26 =	sshra.s32 s10, $0x1;
	s14 =	smul.f32 $5.000000000e-01, s10  }
0x7c: {  	s11 =	ssub.s32 $0x5F3759DF, s26  }
0x7d: {  	v27, _, _ =	vpop (xrf2);
	v14 =	vadd.f32 v22, v14;
	v22 =	vadd.f32 v13, v20;
	s28 =	spop (v2sf);
	s20 =	smul.f32 s11, s14  }
0x7e: {  	v13 =	vadd.f32 v26, v21;
	(v2sf) =	vpush v27, $0xF;
	v27 =	vld [tilespmem:s18+$0x230];
	s10 =	smul.f32 $1.562500000e-02, s28  }
0x7f: {  	s20 =	smul.f32 s11, s20  }
0x80: {  	(xrf2) =	vadd.scan.msk.f32 $0xffff, v14;
	v14 =	vadd.f32 v29, v24;
	v26 =	vadd.f32 v13, v22;
	s21 =	smul.f32 s10, s10  }
0x81: {  	s23 =	spop (v2sf);
	s20 =	ssub.f32 $1.500000000e+00, s20  }
0x82: {  	v26 =	vadd.f32 v14, v26;
	v29, _, _ =	vpop (xrf2);
	s23 =	smul.f32 $1.562500000e-02, s23  }
0x83: {  	(v2sf) =	vpush v29, $0xF;
	v30 =	vadd.f32 v27, v23;
	s24 =	smul.f32 s11, s20  }
0x84: {  	s4 =	ssub.f32 s23, s21  }
0x85: {  	v26 =	vadd.f32 v30, v26;
	s5 =	smul.f32 s24, s14;
	s12 =	spop (v2sf)  }
0x86: {  	v27 =	vmul.f32 v22, v22;
	v29 =	vmul.f32 v13, v13;
	s20 =	simm.s32 $0x140;
	s11 =	smul.f32 $1.562500000e-02, s12;
	s23 =	sadd.f32 $9.999999740e-06, s4  }
0x87: {  	v31 =	vld [tilespmem:s20+$0x200];
	(xrf2) =	vadd.scan.msk.f32 $0xffff, v26;
	s21 =	smul.f32 s5, s24  }
0x88: {  	v27 =	vadd.f32 v29, v27;
	v29 =	vmul.f32 v14, v14;
	v26 =	vld [tilespmem:s20+$0x210];
	s26 =	sshra.s32 s23, $0x1;
	s23 =	smul.f32 $5.000000000e-01, s23  }
0x89: {  	s29 =	smul.f32 s11, s11;
	s26 =	ssub.s32 $0x5F3759DF, s26;
	s21 =	ssub.f32 $1.500000000e+00, s21  }
0x8a: {  	v38 =	vld [tilespmem:s20+$0x220];
	v27 =	vadd.f32 v29, v27;
	v29 =	vmul.f32 v30, v30;
	s30 =	smul.f32 s26, s23  }
0x8b: {  	v37, _, _ =	vpop (xrf2);
	s21 =	smul.f32 s21, s24  }
0x8c: {  	v53 =	vld [tilespmem:s20+$0x230];
	v27 =	vadd.f32 v29, v27;
	(v2sf) =	vpush v37, $0xF;
	s13 =	smul.f32 s26, s30  }
0x8d: {  	v29 =	vadd.f32 v31, v20;
	v26 =	vadd.f32 v26, v21;
	s30 =	spop (v2sf);
	s14 =	smul.f32 s21, s14  }
0x8e: {  	s30 =	smul.f32 $1.562500000e-02, s30;
	s24 =	ssub.f32 $1.500000000e+00, s13  }
0x8f: {  	(xrf2) =	vadd.scan.msk.f32 $0xffff, v27;
	v27 =	vadd.f32 v38, v24;
	v54 =	vadd.f32 v26, v29;
	s14 =	smul.f32 s14, s21  }
0x90: {  	s16 =	ssub.f32 s30, s29;
	s24 =	smul.f32 s26, s24  }
0x91: {  	v31 =	vadd.f32 v53, v23;
	v55 =	vadd.f32 v27, v54;
	v56, _, _ =	vpop (xrf2);
	s14 =	ssub.f32 $1.500000000e+00, s14  }
0x92: {  	v39 =	vmov s9;
	s30 =	spop (v2sf);
	(v2sf) =	vpush v56, $0xF;
	s29 =	smul.f32 s24, s23  }
0x93: {  	v57 =	vmul.f32 v29, v29;
	v41 =	vmul.f32 v26, v26;
	v37 =	vadd.f32 v31, v55;
	s31 =	smul.f32 s14, s21  }
0x94: {  	s9 =	simm.s32 $0x180;
	v36 =	vsub.f32 v36, v39;
	s22 =	sadd.f32 $9.999999740e-06, s16;
	s14 =	smul.f32 $1.562500000e-02, s30  }
0x95: {  	v35 =	vsub.f32 v35, v39;
	v40 =	vld [tilespmem:s9+$0x200];
	v59 =	vmul.f32 v27, v27;
	v38 =	vadd.f32 v41, v57;
	(xrf2) =	vadd.scan.msk.f32 $0xffff, v37;
	s25 =	smul.f32 s29, s24  }
0x96: {  	v32 =	vsub.f32 v32, v39;
	v34 =	vsub.f32 v34, v39;
	v58 =	vld [tilespmem:s9+$0x210];
	s30 =	sshra.s32 s22, $0x1;
	s29 =	smul.f32 $5.000000000e-01, s22  }
0x97: {  	v42 =	vld [tilespmem:s9+$0x220];
	v60 =	vmul.f32 v31, v31;
	v38 =	vadd.f32 v59, v38;
	s28 =	ssub.s32 $0x5F3759DF, s30;
	v36 =	vmul.f32 s31, v36;
	s21 =	smul.f32 s14, s14;
	s26 =	ssub.f32 $1.500000000e+00, s25  }
0x98: {  	v35 =	vmul.f32 s31, v35;
	v32 =	vmul.f32 s31, v32;
	s5 =	smul.f32 s28, s29  }
0x99: {  	v38 =	vadd.f32 v60, v38;
	v44, _, _ =	vpop (xrf2);
	v43 =	vmul.f32 s31, v34;
	v36 =	vmul.f32 v36, v4;
	s30 =	smul.f32 s26, s24  }
0x9a: {  	v39 =	vld [tilespmem:s9+$0x230];
	v34 =	vadd.f32 v40, v20;
	(v2sf) =	vpush v44, $0xF;
	v35 =	vmul.f32 v35, v1;
	s5 =	smul.f32 s28, s5  }
0x9b: {  	v61 =	vmul.f32 v32, v2;
	v32 =	vadd.f32 v58, v21;
	s26 =	spop (v2sf);
	v36 =	vadd.f32 v36, v8;
	s23 =	smul.f32 s30, s23  }
0x9c: {  	v62 =	vmul.f32 v43, v3;
	s26 =	smul.f32 $1.562500000e-02, s26;
	v63 =	vadd.f32 v35, v5;
	v35 =	vadd.f32 v42, v24;
	s5 =	ssub.f32 $1.500000000e+00, s5  }
0x9d: {  	v40 =	vadd.f32 v32, v34;
	[tilespmem:s3+$0x4230] =	vst v36;
	v36 =	vadd.f32 v61, v6;
	s24 =	smul.f32 s23, s30  }
0x9e: {  	(xrf2) =	vadd.scan.msk.f32 $0xffff, v38;
	s31 =	simm.s32 $0x700;
	v37 =	vadd.f32 v62, v7;
	v38 =	vmov v32;
	[tilespmem:s3+$0x4200] =	vst v63;
	s23 =	smul.f32 s28, s5  }
.LBB2_3:
0x9f: {  	p1 =	sne.s32 s31, $0x7F00;
	v39 =	vadd.f32 v39, v23;
	v40 =	vadd.f32 v35, v40;
	v41, _, _ =	vpop (xrf2);
	s5 =	ssub.f32 $1.500000000e+00, s24;
	[tilespmem:s3+$0x4210] =	vst v36;
	v42 =	vmov v35  }
0xa0: {  	s21 =	ssub.f32 s26, s21;
	v36 =	vmov s10;
	(v2sf) =	vpush v41, $0xF;
	s26 =	smul.f32 s23, s29;
	[tilespmem:s3+$0x4220] =	vst v37;
	s3 =	smov.u32 s15  }
0xa1: {  	s28 =	sshra.s32 s31, $0x2;
	s10 =	spop (v2sf);
	s5 =	smul.f32 s5, s30  }
0xa2: {  	s15 =	smov.u32 s17;
	v37 =	vadd.f32 v39, v40;
	v40 =	vsub.f32 v16, v36;
	v16 =	vmovc v18;
	v18 =	vmovc v17;
	v17 =	vmov v30;
	s24 =	smul.f32 $1.562500000e-02, s10;
	s10 =	sadd.f32 $9.999999740e-06, s21  }
0xa3: {  	v41 =	vmul.f32 v34, v34;
	v45 =	vsub.f32 v19, v36;
	v28 =	vsub.f32 v28, v36;
	s17 =	smov.u32 s1;
	s1 =	smov.u32 s18;
	v30 =	vmovc v31;
	s26 =	smul.f32 s26, s23  }
0xa4: {  	v38 =	vmul.f32 v38, v32;
	v33 =	vsub.f32 v33, v36;
	s18 =	smov.u32 s20;
	v31 =	vmovc v39;
	v43 =	vld [tilespmem:s28+$0x200];
	(xrf2) =	vadd.scan.msk.f32 $0xffff, v37;
	v36 =	vmul.f32 s5, v40;
	s30 =	sshra.s32 s10, $0x1;
	s13 =	smul.f32 $5.000000000e-01, s10  }
0xa5: {  	v19 =	vmovc v11;
	v11 =	vmovc v9;
	v9 =	vmov v22;
	v40 =	vmul.f32 s5, v45;
	v44 =	vmul.f32 s5, v28;
	v37 =	vld [tilespmem:s28+$0x210];
	s21 =	smul.f32 s24, s24;
	s10 =	ssub.f32 $1.500000000e+00, s26;
	s4 =	ssub.s32 $0x5F3759DF, s30  }
0xa6: {  	v35 =	vmul.f32 v35, v42;
	v22 =	vmovc v29;
	v45 =	vadd.f32 v38, v41;
	v36 =	vmul.f32 v36, v4;
	s26 =	smul.f32 s4, s13  }
0xa7: {  	v29 =	vmovc v34;
	s20 =	smov.u32 s9;
	s9 =	smov.u32 s28;
	v33 =	vmul.f32 s5, v33;
	v28 =	vmovc v12;
	v12 =	vmov v25;
	v40 =	vmul.f32 v40, v1;
	v41 =	vld [tilespmem:s28+$0x220];
	s30 =	smul.f32 s10, s23  }
0xa8: {  	v46 =	vadd.f32 v35, v45;
	v35 =	vmul.f32 v39, v31;
	s10 =	smov.u32 s11;
	s11 =	smov.u32 s14;
	v38, _, _ =	vpop (xrf2);
	v36 =	vadd.f32 v36, v8;
	s5 =	smul.f32 s4, s26  }
.Ltmp2:
0xa9: {  	v34 =	vadd.f32 v43, v20;
	v39 =	vld [tilespmem:s9+$0x230];
	(v2sf) =	vpush v38, $0xF;
	v43 =	vmul.f32 v44, v2;
	(pc) =	sbr.rel @p1 .LBB2_3-.Ltmp2, $4  }
0xaa: {  	s14 =	smov.u32 s24;
	s28 =	smul.f32 s30, s29;
	v44 =	vmul.f32 v33, v3;
	v38 =	vadd.f32 v37, v21;
	v37 =	vadd.f32 v35, v46;
	s23 =	spop (v2sf);
	[tilespmem:s3+$0x4230] =	vst v36  }
0xab: {  	v25 =	vmovc v13;
	v13 =	vmovc v26;
	v26 =	vmov v32;
	v45 =	vadd.f32 v40, v5;
	s29 =	smov.u32 s13;
	s26 =	smul.f32 $1.562500000e-02, s23;
	s5 =	ssub.f32 $1.500000000e+00, s5;
	v36 =	vadd.f32 v43, v6  }
0xac: {  	v33 =	vmovc v15;
	s24 =	smul.f32 s28, s30;
	v35 =	vadd.f32 v41, v24;
	v40 =	vadd.f32 v38, v34;
	(xrf2) =	vadd.scan.msk.f32 $0xffff, v37;
	v32 =	vmov v38  }
0xad: {  	s31 =	sadd.s32 $0x100, s31;
	v15 =	vmovc v10;
	v10 =	vmovc v14;
	v14 =	vmov v27;
	v27 =	vmov v42;
	v37 =	vadd.f32 v44, v7;
	s23 =	smul.f32 s4, s5;
	[tilespmem:s3+$0x4200] =	vst v45  }
0xae: {  	v20 =	vadd.f32 v39, v23  }
0xaf: {  	v21 =	vadd.f32 v35, v40;
	v23 =	vmul.f32 v34, v34;
	v24 =	vmul.f32 v38, v32;
	_ =	sdelay $0x1  }
0xb0: {  	v21 =	vadd.f32 v20, v21;
	v23 =	vadd.f32 v24, v23;
	v24 =	vmul.f32 v35, v35  }
0xb1: {  	s4 =	ssub.f32 s26, s21  }
0xb2: {  	v43, _, _ =	vpop (xrf2);
	s5 =	smul.f32 s23, s29;
	s13 =	spop (v2sf);
	(xrf2) =	vadd.scan.msk.f32 $0xffff, v21;
	v21 =	vadd.f32 v24, v23;
	v23 =	vmul.f32 v20, v20  }
0xb3: {  	(v2sf) =	vpush v43, $0xF;
	s31 =	smul.f32 $1.562500000e-02, s13;
	s4 =	sadd.f32 $9.999999740e-06, s4  }
0xb4: {  	s5 =	smul.f32 s5, s23;
	v21 =	vadd.f32 v23, v21  }
0xb5: {  	s22 =	sshra.s32 s4, $0x1;
	s4 =	smul.f32 $5.000000000e-01, s4  }
0xb6: {  	s25 =	smul.f32 s31, s31;
	s13 =	ssub.s32 $0x5F3759DF, s22;
	s5 =	ssub.f32 $1.500000000e+00, s5;
	(xrf2) =	vadd.scan.msk.f32 $0xffff, v21  }
0xb7: {  	s28 =	smul.f32 s13, s4  }
0xb8: {  	s5 =	smul.f32 s5, s23;
	v21, _, _ =	vpop (xrf2)  }
0xb9: {  	s12 =	smul.f32 s13, s28;
	(v2sf) =	vpush v21, $0xF  }
0xba: {  	s28 =	smul.f32 s5, s29;
	s16 =	spop (v2sf)  }
0xbb: {  	s23 =	ssub.f32 $1.500000000e+00, s12;
	s26 =	smul.f32 $1.562500000e-02, s16  }
0xbc: {  	s24 =	ssub.f32 $1.500000000e+00, s24;
	s28 =	smul.f32 s28, s5;
	v21, _, _ =	vpop (xrf2)  }
0xbd: {  	s13 =	smul.f32 s13, s23;
	s21 =	ssub.f32 s26, s25;
	(v2sf) =	vpush v21, $0xF  }
0xbe: {  	s24 =	smul.f32 s24, s30;
	s22 =	ssub.f32 $1.500000000e+00, s28  }
0xbf: {  	s26 =	smul.f32 s13, s4  }
0xc0: {  	s21 =	sadd.f32 $9.999999740e-06, s21;
	s23 =	smul.f32 s22, s5;
	v21, _, _ =	vpop (xrf2)  }
0xc1: {  	s26 =	smul.f32 s26, s13;
	(v2sf) =	vpush v21, $0xF  }
0xc2: {  	s25 =	spop (v2sf);
	s16 =	sshra.s32 s21, $0x1;
	s12 =	smul.f32 $5.000000000e-01, s21  }
0xc3: {  	s30 =	smul.f32 $1.562500000e-02, s25;
	s22 =	ssub.s32 $0x5F3759DF, s16  }
0xc4: {  	s21 =	smul.f32 s22, s12  }
0xc5: {  	s26 =	ssub.f32 $1.500000000e+00, s26;
	s25 =	smul.f32 s30, s30  }
0xc6: {  	s21 =	smul.f32 s22, s21  }
0xc7: {  	s13 =	smul.f32 s26, s13  }
0xc8: {  	s21 =	ssub.f32 $1.500000000e+00, s21;
	s29 =	spop (v2sf)  }
0xc9: {  	s29 =	smul.f32 $1.562500000e-02, s29  }
0xca: {  	s5 =	smul.f32 s22, s21  }
0xcb: {  	s4 =	smul.f32 s13, s4;
	s26 =	ssub.f32 s29, s25  }
0xcc: {  	s16 =	smul.f32 s5, s12;
	s22 =	spop (v2sf)  }
0xcd: {  	s29 =	smul.f32 $1.562500000e-02, s22;
	s21 =	sadd.f32 $9.999999740e-06, s26  }
0xce: {  	s26 =	smul.f32 s16, s5  }
0xcf: {  	s25 =	sshra.s32 s21, $0x1;
	s21 =	smul.f32 $5.000000000e-01, s21  }
0xd0: {  	s22 =	smul.f32 s29, s29;
	s16 =	spop (v2sf)  }
0xd1: {  	s26 =	ssub.f32 $1.500000000e+00, s26;
	s28 =	ssub.s32 $0x5F3759DF, s25;
	s16 =	smul.f32 $1.562500000e-02, s16  }
0xd2: {  	v24 =	vmov s11;
	s25 =	smul.f32 s28, s21  }
0xd3: {  	v18 =	vsub.f32 v18, v24;
	v11 =	vsub.f32 v11, v24;
	s5 =	smul.f32 s26, s5;
	s16 =	ssub.f32 s16, s22  }
0xd4: {  	v12 =	vsub.f32 v12, v24;
	v15 =	vsub.f32 v15, v24;
	v24 =	vmov s14;
	s25 =	smul.f32 s28, s25  }
0xd5: {  	v17 =	vsub.f32 v17, v24;
	s4 =	smul.f32 s4, s13;
	s16 =	sadd.f32 $9.999999740e-06, s16  }
0xd6: {  	v9 =	vsub.f32 v9, v24;
	v25 =	vsub.f32 v25, v24;
	s12 =	smul.f32 s5, s12;
	s22 =	ssub.f32 $1.500000000e+00, s25  }
0xd7: {  	v10 =	vsub.f32 v10, v24;
	v24 =	vmov s31;
	v21 =	vmov s10;
	s25 =	sshra.s32 s16, $0x1;
	s10 =	smul.f32 $5.000000000e-01, s16  }
0xd8: {  	v22 =	vsub.f32 v22, v24;
	s11 =	smul.f32 s28, s22;
	s26 =	ssub.s32 $0x5F3759DF, s25  }
0xd9: {  	v18 =	vmul.f32 s23, v18;
	v11 =	vmul.f32 s23, v11;
	v16 =	vsub.f32 v16, v21;
	s22 =	smul.f32 s26, s10  }
0xda: {  	v12 =	vmul.f32 s23, v12;
	v15 =	vmul.f32 s23, v15;
	v19 =	vsub.f32 v19, v21;
	s12 =	smul.f32 s12, s5  }
0xdb: {  	v18 =	vmul.f32 v18, v4;
	v23 =	vsub.f32 v28, v21;
	v16 =	vmul.f32 s24, v16;
	s4 =	ssub.f32 $1.500000000e+00, s4;
	s22 =	smul.f32 s26, s22  }
0xdc: {  	v11 =	vmul.f32 v11, v1;
	v21 =	vsub.f32 v33, v21;
	v19 =	vmul.f32 s24, v19;
	s28 =	smul.f32 s11, s21  }
0xdd: {  	v13 =	vsub.f32 v13, v24;
	v23 =	vmul.f32 s24, v23;
	v16 =	vmul.f32 v16, v4;
	s4 =	smul.f32 s4, s13;
	s22 =	ssub.f32 $1.500000000e+00, s22  }
0xde: {  	v14 =	vsub.f32 v14, v24;
	v21 =	vmul.f32 s24, v21;
	v19 =	vmul.f32 v19, v1;
	s12 =	ssub.f32 $1.500000000e+00, s12;
	s14 =	smul.f32 s28, s11  }
0xdf: {  	[tilespmem:s3+$0x4210] =	vst v36;
	v12 =	vmul.f32 v12, v2;
	v23 =	vmul.f32 v23, v2;
	v16 =	vadd.f32 v16, v8;
	s13 =	smul.f32 s26, s22  }
0xe0: {  	[tilespmem:s3+$0x4220] =	vst v37;
	v18 =	vadd.f32 v18, v8;
	v21 =	vmul.f32 v21, v3;
	v19 =	vadd.f32 v19, v5;
	s5 =	smul.f32 s12, s5;
	s23 =	ssub.f32 $1.500000000e+00, s14  }
0xe1: {  	v15 =	vmul.f32 v15, v3;
	v11 =	vadd.f32 v11, v5;
	v23 =	vadd.f32 v23, v6;
	[tilespmem:s15+$0x4230] =	vst v16;
	s24 =	smul.f32 s13, s10  }
0xe2: {  	v21 =	vadd.f32 v21, v7;
	[tilespmem:s15+$0x4200] =	vst v19;
	v17 =	vmul.f32 s4, v17;
	v9 =	vmul.f32 s4, v9;
	s25 =	smul.f32 s23, s11  }
0xe3: {  	v12 =	vadd.f32 v12, v6;
	[tilespmem:s15+$0x4210] =	vst v23;
	v16 =	vmul.f32 s4, v25;
	v10 =	vmul.f32 s4, v10;
	s26 =	smul.f32 s24, s13  }
0xe4: {  	v15 =	vadd.f32 v15, v7;
	[tilespmem:s15+$0x4220] =	vst v21;
	v17 =	vmul.f32 v17, v4;
	v9 =	vmul.f32 v9, v1;
	s11 =	smul.f32 s25, s21  }
0xe5: {  	v19 =	vsub.f32 v30, v24;
	[tilespmem:s17+$0x4230] =	vst v18;
	v16 =	vmul.f32 v16, v2;
	v10 =	vmul.f32 v10, v3;
	s4 =	ssub.f32 $1.500000000e+00, s26  }
0xe6: {  	[tilespmem:s17+$0x4200] =	vst v11;
	v17 =	vadd.f32 v17, v8;
	v9 =	vadd.f32 v9, v5;
	v18 =	vmul.f32 s5, v22;
	s11 =	smul.f32 s11, s25  }
0xe7: {  	[tilespmem:s17+$0x4210] =	vst v12;
	v16 =	vadd.f32 v16, v6;
	v10 =	vadd.f32 v10, v7;
	v11 =	vmul.f32 s5, v13;
	s4 =	smul.f32 s4, s13  }
0xe8: {  	[tilespmem:s17+$0x4220] =	vst v15;
	v19 =	vmul.f32 s5, v19;
	v12 =	vmul.f32 v18, v1;
	v18 =	vmov s30;
	s11 =	ssub.f32 $1.500000000e+00, s11  }
0xe9: {  	[tilespmem:s1+$0x4230] =	vst v17;
	v14 =	vmul.f32 s5, v14;
	v11 =	vmul.f32 v11, v2;
	v15 =	vsub.f32 v31, v18;
	s28 =	smul.f32 s4, s10  }
0xea: {  	[tilespmem:s1+$0x4210] =	vst v16;
	v13 =	vmul.f32 v19, v4;
	v17 =	vsub.f32 v29, v18;
	v16 =	vsub.f32 v27, v18;
	s3 =	smul.f32 s11, s25  }
0xeb: {  	[tilespmem:s1+$0x4200] =	vst v9;
	v14 =	vmul.f32 v14, v3;
	v9 =	vadd.f32 v11, v6;
	v11 =	vsub.f32 v26, v18;
	s5 =	smul.f32 s28, s4  }
0xec: {  	v13 =	vadd.f32 v13, v8;
	v12 =	vadd.f32 v12, v5;
	v15 =	vmul.f32 s3, v15  }
0xed: {  	[tilespmem:s1+$0x4220] =	vst v10;
	v14 =	vadd.f32 v14, v7;
	v17 =	vmul.f32 s3, v17;
	v10 =	vmul.f32 s3, v11;
	s5 =	ssub.f32 $1.500000000e+00, s5  }
0xee: {  	[tilespmem:s18+$0x4230] =	vst v13;
	v16 =	vmul.f32 s3, v16;
	v11 =	vmul.f32 v15, v4;
	v15 =	vmov s29  }
0xef: {  	[tilespmem:s18+$0x4200] =	vst v12;
	v13 =	vmul.f32 v17, v1;
	v10 =	vmul.f32 v10, v2;
	v17 =	vsub.f32 v20, v15;
	s3 =	smul.f32 s5, s4  }
0xf0: {  	[tilespmem:s18+$0x4210] =	vst v9;
	v9 =	vmul.f32 v16, v3;
	v12 =	vsub.f32 v34, v15;
	v11 =	vadd.f32 v11, v8  }
0xf1: {  	[tilespmem:s18+$0x4220] =	vst v14;
	v14 =	vsub.f32 v35, v15;
	v13 =	vadd.f32 v13, v5;
	v17 =	vmul.f32 s3, v17  }
0xf2: {  	v16 =	vsub.f32 v32, v15;
	v10 =	vadd.f32 v10, v6;
	[tilespmem:s20+$0x4230] =	vst v11;
	v12 =	vmul.f32 s3, v12  }
0xf3: {  	v9 =	vadd.f32 v9, v7;
	[tilespmem:s20+$0x4200] =	vst v13;
	v13 =	vmul.f32 s3, v14;
	v15 =	vmul.f32 v17, v4  }
0xf4: {  	[tilespmem:s20+$0x4210] =	vst v10;
	v11 =	vmul.f32 s3, v16;
	v12 =	vmul.f32 v12, v1  }
0xf5: {  	[tilespmem:s20+$0x4220] =	vst v9;
	v9 =	vmul.f32 v13, v3;
	v10 =	vadd.f32 v15, v8  }
0xf6: {  	v11 =	vmul.f32 v11, v2;
	v12 =	vadd.f32 v12, v5  }
0xf7: {  	p1 =	seq.s32 s2, $0x18;
	s1 =	rddreg [dreg:$0x8];
	v9 =	vadd.f32 v9, v7;
	[tilespmem:s9+$0x4230] =	vst v10  }
0xf8: {  	s1 =	sadd.s32 @!p1 s0, s1;
	v10 =	vadd.f32 v11, v6;
	[tilespmem:s9+$0x4200] =	vst v12  }
0xf9: {  	s1 =	sshrl.u32 @!p1 s1, $0x3;
	[tilespmem:s9+$0x4220] =	vst v9  }
0xfa: {  	s4 =	rddreg [dreg:$0x3];
	s5 =	simm.s32 $0x100;
	[tilespmem:s9+$0x4210] =	vst v10;
	s9 =	simm.s32 $0x4200  }
0xfb: {  	[hbm4b:s4+s19] =	stream.indirect.scatter [tilespmem:s9], [sflag:$0x3], $0x40, s5, s19, $0xb8;
	[tilespmem:$0xB480] =	vst v63  }
0xfc: {  	s1 =	sadd.s32 @!p1 s7, s1;
	s3 =	simm.s32 @!p1 $0x0  }
0xfd: {  	[tilespmem:s3], [sflag:$0x5] =	stream.linear.gather @!p1 [hbm4b:s1+s3], $0x80, $0x38;
	[tilespmem:$0xB480] =	vst v63  }
0xfe: {  	s1 =	simm.s32 @!p1 $0x5  }
0xff: {  	_ =	swait.ge @!p1 [sflag:s1], $0x80  }
0x100: {  	s10 =	sadd.s32 s0, s6;
	[sflag:s1] =	ssyncset.done @!p1 $0x0  }
0x101: {  	s4 =	simm.s32 @!p1 $0x200;
	[sflag:s1] =	ssyncadd.s32 @!p1 $0xFFFFFF80;
	s1 =	simm.s32 @!p1 $0x80  }
0x102: {  	[tilespmem:s4], [sflag:$0x1] =	stream.indirect.gather @!p1 [hbm4b:s8+s1], $0x40, s3, s1, $0xb8;
	[tilespmem:$0xB480] =	vst v63  }
0x103: {  	s1 =	sadd.s32 $0x80, s10  }
0x104: {  	s11 =	sshrl.u32 s1, $0xA  }
0x105: {  	s12 =	sshll.u32 s11, $0x6  }
0x106: {  	v20 =	vld [tilespmem:s12+$0x8200]  }
0x107: {  	v21 =	vld [tilespmem:s12+$0x8210]  }
0x108: {  	s13 =	simm.s32 $0x2;
	v23 =	vld [tilespmem:s12+$0x8220]  }
0x109: {  	v22 =	vld [tilespmem:s12+$0x8230];
	_ =	swait.ge [sflag:s13], $0x2000  }
0x10a: {  	s1 =	sand.u32 $0x380, s1;
	[sflag:s13] =	ssyncset.done $0x0  }
0x10b: {  	s4 =	simm.s32 @!p0 $0x4;
	s1 =	smul.u32 $0xC8, s1;
	[sflag:s13] =	ssyncadd.s32 $0xFFFFE000  }
0x10c: {  	_ =	swait.ge @!p0 [sflag:s4], $0x2000  }
0x10d: {  	s1 =	sadd.s32 s11, s1;
	[sflag:s4] =	ssyncset.done @!p0 $0x0  }
0x10e: {  	v9 =	vadd.s32 s1, v0;
	s3 =	sadd.s32 $0xC80, s1;
	[sflag:s4] =	ssyncadd.s32 @!p0 $0xFFFFE000  }
0x10f: {  	s14 =	sadd.s32 $0x1900, s1;
	[tilespmem:$0x180] =	vst v9;
	v9 =	vadd.s32 s3, v0  }
0x110: {  	s15 =	sadd.s32 $0x2580, s1;
	[tilespmem:$0x190] =	vst v9;
	v9 =	vadd.s32 s14, v0  }
0x111: {  	s16 =	sadd.s32 $0x3200, s1;
	[tilespmem:$0x1A0] =	vst v9;
	v9 =	vadd.s32 s15, v0  }
0x112: {  	s17 =	sadd.s32 $0x3E80, s1;
	[tilespmem:$0x1B0] =	vst v9;
	v9 =	vadd.s32 s16, v0  }
0x113: {  	s18 =	sadd.s32 $0x4B00, s1;
	[tilespmem:$0x1C0] =	vst v9;
	v9 =	vadd.s32 s17, v0  }
0x114: {  	s1 =	sadd.s32 $0x5780, s1;
	[tilespmem:$0x1D0] =	vst v9;
	v9 =	vadd.s32 s18, v0  }
0x115: {  	[tilespmem:$0x1E0] =	vst v9;
	v9 =	vadd.s32 s1, v0  }
0x116: {  	s3 =	simm.s32 $0x0;
	[tilespmem:$0x1F0] =	vst v9  }
0x117: {  	v9 =	vld [tilespmem:s3+$0x2200]  }
0x118: {  	v10 =	vld [tilespmem:s3+$0x2210]  }
0x119: {  	v11 =	vld [tilespmem:s3+$0x2220];
	_ =	sdelay $0x1  }
0x11a: {  	v12 =	vld [tilespmem:s3+$0x2230];
	_ =	sdelay $0x1  }
0x11b: {  	v44 =	vadd.f32 v9, v20;
	v45 =	vadd.f32 v10, v21  }
0x11c: {  	v46 =	vadd.f32 v11, v23  }
0x11d: {  	v9 =	vadd.f32 v45, v44;
	v10 =	vmul.f32 v44, v44;
	v11 =	vmul.f32 v45, v45  }
0x11e: {  	v47 =	vadd.f32 v12, v22  }
0x11f: {  	s15 =	simm.s32 $0x40;
	v9 =	vadd.f32 v46, v9;
	v10 =	vadd.f32 v11, v10;
	v11 =	vmul.f32 v46, v46  }
0x120: {  	v13 =	vld [tilespmem:s15+$0x2210]  }
0x121: {  	v12 =	vld [tilespmem:s15+$0x2200];
	v9 =	vadd.f32 v47, v9;
	v10 =	vadd.f32 v11, v10;
	v11 =	vmul.f32 v47, v47;
	_ =	sdelay $0x1  }
0x122: {  	(xrf2) =	vadd.scan.msk.f32 $0xffff, v9;
	v9 =	vadd.f32 v11, v10;
	v10 =	vld [tilespmem:s15+$0x2220];
	_ =	sdelay $0x1  }
0x123: {  	(xrf2) =	vadd.scan.msk.f32 $0xffff, v9;
	v9 =	vld [tilespmem:s15+$0x2230]  }
0x124: {  	v28 =	vadd.f32 v13, v21;
	v19 =	vadd.f32 v12, v20;
	_ =	sdelay $0x1  }
0x125: {  	v33 =	vadd.f32 v10, v23;
	v10 =	vadd.f32 v28, v19  }
0x126: {  	s17 =	simm.s32 $0x80;
	v13 =	vmul.f32 v28, v28  }
0x127: {  	v12 =	vmul.f32 v19, v19;
	v11 =	vld [tilespmem:s17+$0x2200];
	v14 =	vadd.f32 v9, v22;
	v9 =	vadd.f32 v33, v10  }
0x128: {  	v15 =	vld [tilespmem:s17+$0x2210]  }
0x129: {  	v10 =	vadd.f32 v13, v12;
	v13 =	vld [tilespmem:s17+$0x2220];
	v9 =	vadd.f32 v14, v9  }
0x12a: {  	v12 =	vmul.f32 v33, v33;
	_ =	sdelay $0x1  }
0x12b: {  	v17 =	vld [tilespmem:s17+$0x2230];
	v11 =	vadd.f32 v11, v20;
	v10 =	vadd.f32 v12, v10;
	v16, _, _ =	vpop (xrf2)  }
0x12c: {  	v12 =	vadd.f32 v15, v21;
	(v2sf) =	vpush v16, $0xF;
	v16 =	vmul.f32 v14, v14;
	(xrf2) =	vadd.scan.msk.f32 $0xffff, v9;
	v9, _, _ =	vpop (xrf2)  }
0x12d: {  	v13 =	vadd.f32 v13, v23;
	(v2sf) =	vpush v9, $0xF  }
0x12e: {  	v9 =	vadd.f32 v16, v10;
	v10 =	vadd.f32 v12, v11;
	_ =	sdelay $0x1  }
0x12f: {  	v16 =	vadd.f32 v17, v22;
	(xrf2) =	vadd.scan.msk.f32 $0xffff, v9;
	v9 =	vadd.f32 v13, v10  }
0x130: {  	s1 =	simm.s32 $0xC0  }
0x131: {  	v15 =	vld [tilespmem:s1+$0x2200];
	v17 =	vmul.f32 v12, v12;
	v10 =	vmul.f32 v11, v11;
	v9 =	vadd.f32 v16, v9  }
0x132: {  	v18 =	vld [tilespmem:s1+$0x2210]  }
0x133: {  	v10 =	vadd.f32 v17, v10;
	v17 =	vmul.f32 v13, v13  }
0x134: {  	v25 =	vld [tilespmem:s1+$0x2220];
	(xrf2) =	vadd.scan.msk.f32 $0xffff, v9  }
0x135: {  	v10 =	vadd.f32 v17, v10;
	v9, _, _ =	vpop (xrf2)  }
0x136: {  	v17 =	vmul.f32 v16, v16;
	(v2sf) =	vpush v9, $0xF;
	v9 =	vadd.f32 v15, v20;
	v15 =	vld [tilespmem:s1+$0x2230]  }
0x137: {  	v24 =	vadd.f32 v18, v21  }
0x138: {  	v17 =	vadd.f32 v17, v10  }
0x139: {  	v10 =	vadd.f32 v25, v23;
	v18 =	vadd.f32 v24, v9;
	v26, _, _ =	vpop (xrf2)  }
0x13a: {  	(v2sf) =	vpush v26, $0xF  }
0x13b: {  	(xrf2) =	vadd.scan.msk.f32 $0xffff, v17;
	v17 =	vadd.f32 v10, v18;
	v15 =	vadd.f32 v15, v22;
	_ =	sdelay $0x1  }
0x13c: {  	s20 =	spop (v2sf);
	v17 =	vadd.f32 v15, v17  }
0x13d: {  	s9 =	smul.f32 $1.562500000e-02, s20;
	v18, _, _ =	vpop (xrf2)  }
0x13e: {  	v25 =	vmul.f32 v24, v24;
	s21 =	spop (v2sf);
	(v2sf) =	vpush v18, $0xF;
	v18 =	vmul.f32 v9, v9;
	(xrf2) =	vadd.scan.msk.f32 $0xffff, v17  }
0x13f: {  	s4 =	smul.f32 s9, s9  }
0x140: {  	s5 =	smul.f32 $1.562500000e-02, s21;
	v17 =	vadd.f32 v25, v18;
	v18 =	vmul.f32 v10, v10;
	_ =	sdelay $0x1  }
0x141: {  	s4 =	ssub.f32 s5, s4;
	v17 =	vadd.f32 v18, v17;
	v18 =	vmul.f32 v15, v15  }
0x142: {  	s18 =	simm.s32 $0x100  }
0x143: {  	s4 =	sadd.f32 $9.999999740e-06, s4;
	v25, _, _ =	vpop (xrf2);
	v17 =	vadd.f32 v18, v17;
	v18 =	vld [tilespmem:s18+$0x2210]  }
0x144: {  	s23 =	spop (v2sf);
	(v2sf) =	vpush v25, $0xF;
	v25 =	vld [tilespmem:s18+$0x2200]  }
0x145: {  	s22 =	sshra.s32 s4, $0x1;
	s4 =	smul.f32 $5.000000000e-01, s4  }
0x146: {  	v26 =	vld [tilespmem:s18+$0x2220];
	s5 =	ssub.s32 $0x5F3759DF, s22  }
0x147: {  	v29 =	vld [tilespmem:s18+$0x2230];
	s24 =	smul.f32 s5, s4;
	(xrf2) =	vadd.scan.msk.f32 $0xffff, v17;
	v17, _, _ =	vpop (xrf2)  }
0x148: {  	s10 =	smul.f32 $1.562500000e-02, s23;
	s26 =	spop (v2sf);
	(v2sf) =	vpush v17, $0xF  }
0x149: {  	s11 =	smul.f32 s5, s24;
	v27 =	vadd.f32 v25, v20;
	v17 =	vadd.f32 v18, v21;
	_ =	sdelay $0x1  }
0x14a: {  	s25 =	smul.f32 s10, s10;
	s11 =	ssub.f32 $1.500000000e+00, s11;
	v18 =	vadd.f32 v26, v23;
	v25 =	vadd.f32 v17, v27  }
0x14b: {  	v30 =	vadd.f32 v29, v22;
	s13 =	smul.f32 $1.562500000e-02, s26  }
0x14c: {  	s5 =	smul.f32 s5, s11;
	v26 =	vmul.f32 v27, v27;
	v31 =	vmul.f32 v17, v17;
	v25 =	vadd.f32 v18, v25  }
0x14d: {  	s12 =	ssub.f32 s13, s25  }
0x14e: {  	s28 =	smul.f32 s5, s4;
	s14 =	spop (v2sf);
	v26 =	vadd.f32 v31, v26;
	v31 =	vmul.f32 v18, v18;
	v25 =	vadd.f32 v30, v25  }
0x14f: {  	s20 =	simm.s32 $0x140;
	s11 =	smul.f32 $1.562500000e-02, s14;
	s12 =	sadd.f32 $9.999999740e-06, s12  }
0x150: {  	v29 =	vld [tilespmem:s20+$0x2200];
	s13 =	smul.f32 s28, s5;
	v49, _, _ =	vpop (xrf2);
	v26 =	vadd.f32 v31, v26;
	v31 =	vmul.f32 v30, v30;
	(xrf2) =	vadd.scan.msk.f32 $0xffff, v25  }
0x151: {  	v48 =	vld [tilespmem:s20+$0x2210];
	s16 =	sshra.s32 s12, $0x1;
	s21 =	smul.f32 $5.000000000e-01, s12  }
0x152: {  	s22 =	smul.f32 s11, s11;
	s14 =	ssub.s32 $0x5F3759DF, s16;
	s13 =	ssub.f32 $1.500000000e+00, s13;
	v26 =	vadd.f32 v31, v26  }
0x153: {  	v50 =	vld [tilespmem:s20+$0x2220];
	s23 =	smul.f32 s14, s21  }
0x154: {  	s5 =	smul.f32 s13, s5;
	(xrf2) =	vadd.scan.msk.f32 $0xffff, v26  }
0x155: {  	v51 =	vld [tilespmem:s20+$0x2230];
	(v2sf) =	vpush v49, $0xF;
	s24 =	smul.f32 s14, s23  }
0x156: {  	v29 =	vadd.f32 v29, v20;
	v25 =	vadd.f32 v48, v21;
	s25 =	spop (v2sf);
	s4 =	smul.f32 s5, s4  }
0x157: {  	s16 =	smul.f32 $1.562500000e-02, s25;
	s13 =	ssub.f32 $1.500000000e+00, s24  }
0x158: {  	v26 =	vadd.f32 v50, v23;
	v37 =	vadd.f32 v25, v29;
	s4 =	smul.f32 s4, s5  }
0x159: {  	s12 =	ssub.f32 s16, s22;
	s13 =	smul.f32 s14, s13  }
0x15a: {  	v31 =	vadd.f32 v51, v22;
	v37 =	vadd.f32 v26, v37;
	s4 =	ssub.f32 $1.500000000e+00, s4;
	v42, _, _ =	vpop (xrf2)  }
0x15b: {  	v52 =	vmov s9;
	s28 =	spop (v2sf);
	s26 =	smul.f32 s13, s21;
	(v2sf) =	vpush v42, $0xF  }
0x15c: {  	s9 =	simm.s32 $0x180;
	v53 =	vmul.f32 v29, v29;
	v41 =	vmul.f32 v25, v25;
	v37 =	vadd.f32 v31, v37;
	s14 =	smul.f32 $1.562500000e-02, s28  }
0x15d: {  	v36 =	vsub.f32 v47, v52;
	v54 =	vld [tilespmem:s9+$0x2200];
	s22 =	sadd.f32 $9.999999740e-06, s12;
	s4 =	smul.f32 s4, s5  }
0x15e: {  	v35 =	vsub.f32 v44, v52;
	v55 =	vld [tilespmem:s9+$0x2210];
	v56 =	vadd.f32 v41, v53;
	v57 =	vmul.f32 v26, v26;
	s23 =	smul.f32 s26, s13;
	v60, _, _ =	vpop (xrf2);
	(xrf2) =	vadd.scan.msk.f32 $0xffff, v37  }
0x15f: {  	v34 =	vsub.f32 v45, v52;
	v32 =	vsub.f32 v46, v52;
	s24 =	sshra.s32 s22, $0x1;
	s29 =	smul.f32 $5.000000000e-01, s22  }
0x160: {  	v45 =	vmul.f32 v31, v31;
	v44 =	vadd.f32 v57, v56;
	s31 =	smul.f32 s14, s14;
	s25 =	ssub.s32 $0x5F3759DF, s24;
	v36 =	vmul.f32 s4, v36;
	s12 =	ssub.f32 $1.500000000e+00, s23  }
0x161: {  	v58 =	vld [tilespmem:s9+$0x2220];
	v35 =	vmul.f32 s4, v35;
	v43 =	vmul.f32 s4, v34;
	s26 =	smul.f32 s25, s29  }
0x162: {  	v62 =	vadd.f32 v45, v44;
	v59 =	vmul.f32 s4, v32;
	v36 =	vmul.f32 v36, v4;
	s30 =	smul.f32 s12, s13  }
0x163: {  	v39 =	vld [tilespmem:s9+$0x2230];
	v34 =	vadd.f32 v54, v20;
	v32 =	vadd.f32 v55, v21;
	v35 =	vmul.f32 v35, v1;
	s4 =	smul.f32 s25, s26  }
0x164: {  	(v2sf) =	vpush v60, $0xF;
	v61 =	vmul.f32 v43, v2;
	s28 =	spop (v2sf);
	v36 =	vadd.f32 v36, v8;
	s13 =	smul.f32 s30, s21  }
0x165: {  	v42 =	vmul.f32 v59, v3;
	v40 =	vadd.f32 v32, v34;
	s26 =	smul.f32 $1.562500000e-02, s28;
	s4 =	ssub.f32 $1.500000000e+00, s4;
	v63 =	vadd.f32 v35, v5  }
0x166: {  	v35 =	vadd.f32 v58, v23;
	[tilespmem:s3+$0x6230] =	vst v36;
	v36 =	vadd.f32 v61, v6;
	s24 =	smul.f32 s13, s30  }
0x167: {  	(xrf2) =	vadd.scan.msk.f32 $0xffff, v62;
	v38 =	vmov v32;
	v37 =	vadd.f32 v42, v7;
	s21 =	simm.s32 $0x700;
	s23 =	smul.f32 s25, s4;
	[tilespmem:s3+$0x6200] =	vst v63  }
.LBB2_5:
0x168: {  	p0 =	sne.s32 s21, $0x7F00;
	v39 =	vadd.f32 v39, v22;
	v40 =	vadd.f32 v35, v40;
	v41, _, _ =	vpop (xrf2);
	s4 =	ssub.f32 $1.500000000e+00, s24;
	[tilespmem:s3+$0x6210] =	vst v36;
	v42 =	vmov v35  }
0x169: {  	s5 =	ssub.f32 s26, s31;
	v36 =	vmov s10;
	(v2sf) =	vpush v41, $0xF;
	s12 =	smul.f32 s23, s29;
	[tilespmem:s3+$0x6220] =	vst v37;
	s3 =	smov.u32 s15  }
0x16a: {  	s13 =	sshra.s32 s21, $0x2;
	s10 =	spop (v2sf);
	s4 =	smul.f32 s4, s30  }
0x16b: {  	s15 =	smov.u32 s17;
	v37 =	vadd.f32 v39, v40;
	v40 =	vsub.f32 v14, v36;
	v14 =	vmovc v16;
	v16 =	vmovc v15;
	v15 =	vmov v30;
	s5 =	sadd.f32 $9.999999740e-06, s5;
	s24 =	smul.f32 $1.562500000e-02, s10  }
0x16c: {  	v41 =	vmul.f32 v34, v34;
	v45 =	vsub.f32 v19, v36;
	v28 =	vsub.f32 v28, v36;
	s17 =	smov.u32 s1;
	s1 =	smov.u32 s18;
	v30 =	vmovc v31;
	s10 =	smul.f32 s12, s23  }
0x16d: {  	v38 =	vmul.f32 v38, v32;
	v33 =	vsub.f32 v33, v36;
	s18 =	smov.u32 s20;
	v31 =	vmovc v39;
	v43 =	vld [tilespmem:s13+$0x2200];
	(xrf2) =	vadd.scan.msk.f32 $0xffff, v37;
	v36 =	vmul.f32 s4, v40;
	s12 =	sshra.s32 s5, $0x1;
	s5 =	smul.f32 $5.000000000e-01, s5  }
0x16e: {  	v19 =	vmovc v11;
	v11 =	vmovc v9;
	v9 =	vmov v27;
	v40 =	vmul.f32 s4, v45;
	v44 =	vmul.f32 s4, v28;
	v37 =	vld [tilespmem:s13+$0x2210];
	s31 =	smul.f32 s24, s24;
	s12 =	ssub.s32 $0x5F3759DF, s12;
	s10 =	ssub.f32 $1.500000000e+00, s10  }
0x16f: {  	v35 =	vmul.f32 v35, v42;
	v27 =	vmovc v29;
	v45 =	vadd.f32 v38, v41;
	v36 =	vmul.f32 v36, v4;
	s16 =	smul.f32 s12, s5  }
0x170: {  	v29 =	vmovc v34;
	s20 =	smov.u32 s9;
	s9 =	smov.u32 s13;
	v33 =	vmul.f32 s4, v33;
	v28 =	vmovc v12;
	v12 =	vmov v24;
	v40 =	vmul.f32 v40, v1;
	v41 =	vld [tilespmem:s13+$0x2220];
	s30 =	smul.f32 s10, s23  }
0x171: {  	v46 =	vadd.f32 v35, v45;
	v35 =	vmul.f32 v39, v31;
	s10 =	smov.u32 s11;
	s11 =	smov.u32 s14;
	v38, _, _ =	vpop (xrf2);
	v36 =	vadd.f32 v36, v8;
	s4 =	smul.f32 s12, s16  }
.Ltmp3:
0x172: {  	v34 =	vadd.f32 v43, v20;
	v39 =	vld [tilespmem:s9+$0x2230];
	(v2sf) =	vpush v38, $0xF;
	v43 =	vmul.f32 v44, v2;
	(pc) =	sbr.rel @p0 .LBB2_5-.Ltmp3, $4  }
0x173: {  	s14 =	smov.u32 s24;
	s16 =	smul.f32 s30, s29;
	v44 =	vmul.f32 v33, v3;
	v38 =	vadd.f32 v37, v21;
	v37 =	vadd.f32 v35, v46;
	s13 =	spop (v2sf);
	[tilespmem:s3+$0x6230] =	vst v36  }
0x174: {  	v24 =	vmovc v17;
	v17 =	vmovc v25;
	v25 =	vmov v32;
	v45 =	vadd.f32 v40, v5;
	s29 =	smov.u32 s5;
	s4 =	ssub.f32 $1.500000000e+00, s4;
	s26 =	smul.f32 $1.562500000e-02, s13;
	v36 =	vadd.f32 v43, v6  }
0x175: {  	v33 =	vmovc v13;
	s24 =	smul.f32 s16, s30;
	v35 =	vadd.f32 v41, v23;
	v40 =	vadd.f32 v38, v34;
	(xrf2) =	vadd.scan.msk.f32 $0xffff, v37;
	v32 =	vmov v38  }
0x176: {  	s21 =	sadd.s32 $0x100, s21;
	v13 =	vmovc v10;
	v10 =	vmovc v18;
	v18 =	vmov v26;
	v26 =	vmov v42;
	s23 =	smul.f32 s12, s4;
	v37 =	vadd.f32 v44, v7;
	[tilespmem:s3+$0x6200] =	vst v45  }
0x177: {  	v20 =	vadd.f32 v39, v22  }
0x178: {  	v21 =	vadd.f32 v35, v40;
	v55 =	vmul.f32 v34, v34;
	v23 =	vmul.f32 v38, v32;
	_ =	sdelay $0x1  }
0x179: {  	v56 =	vmul.f32 v35, v35;
	s4 =	ssub.f32 s26, s31;
	v21 =	vadd.f32 v20, v21;
	v22 =	vadd.f32 v23, v55  }
0x17a: {  	v57, _, _ =	vpop (xrf2);
	s5 =	smul.f32 s23, s29;
	s12 =	spop (v2sf)  }
0x17b: {  	(v2sf) =	vpush v57, $0xF;
	v59 =	vmul.f32 v20, v20;
	s31 =	smul.f32 $1.562500000e-02, s12;
	s4 =	sadd.f32 $9.999999740e-06, s4;
	(xrf2) =	vadd.scan.msk.f32 $0xffff, v21;
	v58 =	vadd.f32 v56, v22  }
0x17c: {  	s5 =	smul.f32 s5, s23  }
0x17d: {  	s28 =	sshra.s32 s4, $0x1;
	s4 =	smul.f32 $5.000000000e-01, s4;
	v21 =	vadd.f32 v59, v58  }
0x17e: {  	s13 =	smul.f32 s31, s31;
	s12 =	ssub.s32 $0x5F3759DF, s28;
	s5 =	ssub.f32 $1.500000000e+00, s5  }
0x17f: {  	s16 =	smul.f32 s12, s4;
	(xrf2) =	vadd.scan.msk.f32 $0xffff, v21;
	v60, _, _ =	vpop (xrf2)  }
0x180: {  	s5 =	smul.f32 s5, s23;
	(v2sf) =	vpush v60, $0xF  }
0x181: {  	s16 =	smul.f32 s12, s16  }
0x182: {  	s22 =	smul.f32 s5, s29;
	s21 =	spop (v2sf)  }
0x183: {  	s16 =	ssub.f32 $1.500000000e+00, s16;
	s21 =	smul.f32 $1.562500000e-02, s21  }
0x184: {  	s29 =	ssub.f32 $1.500000000e+00, s24;
	s22 =	smul.f32 s22, s5  }
0x185: {  	s12 =	smul.f32 s12, s16;
	s13 =	ssub.f32 s21, s13;
	v61, _, _ =	vpop (xrf2)  }
0x186: {  	s16 =	smul.f32 s29, s30;
	s23 =	ssub.f32 $1.500000000e+00, s22;
	(v2sf) =	vpush v61, $0xF  }
0x187: {  	s24 =	smul.f32 s12, s4;
	s13 =	sadd.f32 $9.999999740e-06, s13  }
0x188: {  	s23 =	smul.f32 s23, s5  }
0x189: {  	s26 =	sshra.s32 s13, $0x1;
	s13 =	smul.f32 $5.000000000e-01, s13;
	v62, _, _ =	vpop (xrf2)  }
0x18a: {  	s25 =	spop (v2sf);
	s22 =	smul.f32 s24, s12;
	s28 =	ssub.s32 $0x5F3759DF, s26;
	(v2sf) =	vpush v62, $0xF  }
0x18b: {  	s21 =	smul.f32 s28, s13  }
0x18c: {  	s30 =	smul.f32 $1.562500000e-02, s25  }
0x18d: {  	s21 =	smul.f32 s28, s21  }
0x18e: {  	s29 =	smul.f32 s30, s30  }
0x18f: {  	s21 =	ssub.f32 $1.500000000e+00, s21;
	s25 =	spop (v2sf)  }
0x190: {  	s22 =	ssub.f32 $1.500000000e+00, s22;
	s25 =	smul.f32 $1.562500000e-02, s25  }
0x191: {  	s5 =	smul.f32 s28, s21  }
0x192: {  	s12 =	smul.f32 s22, s12;
	s22 =	ssub.f32 s25, s29  }
0x193: {  	s25 =	smul.f32 s5, s13  }
0x194: {  	s4 =	smul.f32 s12, s4;
	s21 =	sadd.f32 $9.999999740e-06, s22  }
0x195: {  	s22 =	smul.f32 s25, s5;
	s26 =	spop (v2sf)  }
0x196: {  	s29 =	smul.f32 $1.562500000e-02, s26  }
0x197: {  	s28 =	sshra.s32 s21, $0x1;
	s21 =	smul.f32 $5.000000000e-01, s21  }
0x198: {  	s24 =	ssub.s32 $0x5F3759DF, s28;
	s25 =	smul.f32 s29, s29  }
0x199: {  	s26 =	smul.f32 s24, s21;
	s28 =	spop (v2sf)  }
0x19a: {  	s28 =	smul.f32 $1.562500000e-02, s28  }
0x19b: {  	s22 =	ssub.f32 $1.500000000e+00, s22;
	s26 =	smul.f32 s24, s26  }
0x19c: {  	v63 =	vmov s10;
	s4 =	smul.f32 s4, s12;
	s25 =	ssub.f32 s28, s25  }
0x19d: {  	v39 =	vmov s11;
	v14 =	vsub.f32 v14, v63;
	v19 =	vsub.f32 v19, v63;
	s5 =	smul.f32 s22, s5;
	s22 =	ssub.f32 $1.500000000e+00, s26  }
0x19e: {  	v38 =	vsub.f32 v28, v63;
	v16 =	vsub.f32 v16, v39;
	s26 =	sadd.f32 $9.999999740e-06, s25  }
0x19f: {  	v40 =	vmov s14;
	v11 =	vsub.f32 v11, v39;
	v12 =	vsub.f32 v12, v39;
	s4 =	ssub.f32 $1.500000000e+00, s4  }
0x1a0: {  	v13 =	vsub.f32 v13, v39;
	v15 =	vsub.f32 v15, v40;
	s28 =	sshra.s32 s26, $0x1;
	s10 =	smul.f32 $5.000000000e-01, s26  }
0x1a1: {  	v9 =	vsub.f32 v9, v40;
	v24 =	vsub.f32 v24, v40;
	s4 =	smul.f32 s4, s12;
	s25 =	ssub.s32 $0x5F3759DF, s28  }
0x1a2: {  	v10 =	vsub.f32 v10, v40;
	v21 =	vsub.f32 v33, v63;
	s26 =	smul.f32 s25, s10  }
0x1a3: {  	v42 =	vmov s31;
	v14 =	vmul.f32 s16, v14;
	v19 =	vmul.f32 s16, v19;
	s11 =	smul.f32 s24, s22  }
0x1a4: {  	v43 =	vsub.f32 v30, v42;
	v22 =	vmul.f32 s16, v38;
	v21 =	vmul.f32 s16, v21;
	s16 =	smul.f32 s25, s26  }
0x1a5: {  	v44 =	vsub.f32 v27, v42;
	v14 =	vmul.f32 v14, v4;
	v19 =	vmul.f32 v19, v1;
	s28 =	smul.f32 s11, s21  }
0x1a6: {  	v17 =	vsub.f32 v17, v42;
	v22 =	vmul.f32 v22, v2;
	v21 =	vmul.f32 v21, v3;
	s13 =	smul.f32 s5, s13;
	s16 =	ssub.f32 $1.500000000e+00, s16  }
0x1a7: {  	v45 =	vsub.f32 v18, v42;
	v16 =	vmul.f32 s23, v16;
	v11 =	vmul.f32 s23, v11;
	s14 =	smul.f32 s28, s11  }
0x1a8: {  	v12 =	vmul.f32 s23, v12;
	v14 =	vadd.f32 v14, v8;
	v19 =	vadd.f32 v19, v5;
	s12 =	smul.f32 s25, s16  }
0x1a9: {  	v13 =	vmul.f32 s23, v13;
	v22 =	vadd.f32 v22, v6;
	v21 =	vadd.f32 v21, v7;
	s13 =	smul.f32 s13, s5;
	s22 =	ssub.f32 $1.500000000e+00, s14  }
0x1aa: {  	[tilespmem:s3+$0x6210] =	vst v36;
	v16 =	vmul.f32 v16, v4;
	v11 =	vmul.f32 v11, v1;
	v49 =	vmov s30;
	s23 =	smul.f32 s12, s10  }
0x1ab: {  	[tilespmem:s3+$0x6220] =	vst v37;
	v12 =	vmul.f32 v12, v2;
	v51 =	vsub.f32 v31, v49;
	v53 =	vsub.f32 v29, v49;
	s24 =	smul.f32 s22, s11  }
0x1ac: {  	v13 =	vmul.f32 v13, v3;
	[tilespmem:s15+$0x6230] =	vst v14;
	v55 =	vsub.f32 v26, v49;
	v16 =	vadd.f32 v16, v8;
	s13 =	ssub.f32 $1.500000000e+00, s13;
	s25 =	smul.f32 s23, s12  }
0x1ad: {  	[tilespmem:s15+$0x6200] =	vst v19;
	v11 =	vadd.f32 v11, v5;
	v15 =	vmul.f32 s4, v15;
	v9 =	vmul.f32 s4, v9;
	s11 =	smul.f32 s24, s21  }
0x1ae: {  	[tilespmem:s15+$0x6210] =	vst v22;
	v12 =	vadd.f32 v12, v6;
	v41 =	vmul.f32 s4, v24;
	v10 =	vmul.f32 s4, v10;
	s5 =	smul.f32 s13, s5;
	s4 =	ssub.f32 $1.500000000e+00, s25  }
0x1af: {  	[tilespmem:s15+$0x6220] =	vst v21;
	v13 =	vadd.f32 v13, v7;
	v15 =	vmul.f32 v15, v4;
	v9 =	vmul.f32 v9, v1;
	s11 =	smul.f32 s11, s24  }
0x1b0: {  	[tilespmem:s17+$0x6230] =	vst v16;
	v14 =	vmul.f32 v41, v2;
	v10 =	vmul.f32 v10, v3;
	v56 =	vmov s29;
	s4 =	smul.f32 s4, s12  }
0x1b1: {  	[tilespmem:s17+$0x6200] =	vst v11;
	v15 =	vadd.f32 v15, v8;
	v9 =	vadd.f32 v9, v5;
	v11 =	vmul.f32 s5, v17;
	s11 =	ssub.f32 $1.500000000e+00, s11  }
0x1b2: {  	[tilespmem:s17+$0x6210] =	vst v12;
	v14 =	vadd.f32 v14, v6;
	v10 =	vadd.f32 v10, v7;
	v19 =	vmul.f32 s5, v43;
	s26 =	smul.f32 s4, s10  }
0x1b3: {  	[tilespmem:s17+$0x6220] =	vst v13;
	v58 =	vsub.f32 v20, v56;
	v46 =	vmul.f32 s5, v44;
	v11 =	vmul.f32 v11, v2;
	s3 =	smul.f32 s11, s24  }
0x1b4: {  	v59 =	vsub.f32 v34, v56;
	[tilespmem:s1+$0x6230] =	vst v15;
	v16 =	vmul.f32 s5, v45;
	v47 =	vmul.f32 v19, v4;
	s5 =	smul.f32 s26, s4  }
0x1b5: {  	[tilespmem:s1+$0x6200] =	vst v9;
	v48 =	vmul.f32 v46, v1;
	v9 =	vadd.f32 v11, v6;
	v11 =	vsub.f32 v25, v49  }
0x1b6: {  	[tilespmem:s1+$0x6210] =	vst v14;
	v52 =	vmul.f32 v16, v3;
	v50 =	vadd.f32 v47, v8;
	v17 =	vmul.f32 s3, v51;
	s5 =	ssub.f32 $1.500000000e+00, s5  }
0x1b7: {  	[tilespmem:s1+$0x6220] =	vst v10;
	v12 =	vadd.f32 v48, v5;
	v16 =	vmul.f32 s3, v53;
	v10 =	vmul.f32 s3, v11  }
0x1b8: {  	v61 =	vsub.f32 v35, v56;
	[tilespmem:s18+$0x6230] =	vst v50;
	v15 =	vmul.f32 s3, v55;
	v11 =	vmul.f32 v17, v4;
	s28 =	smul.f32 s5, s4  }
0x1b9: {  	v54 =	vadd.f32 v52, v7;
	[tilespmem:s18+$0x6200] =	vst v12;
	v57 =	vmul.f32 v16, v1;
	v10 =	vmul.f32 v10, v2  }
0x1ba: {  	[tilespmem:s18+$0x6210] =	vst v9;
	v9 =	vmul.f32 v15, v3;
	v11 =	vadd.f32 v11, v8;
	v16 =	vmul.f32 s28, v58  }
0x1bb: {  	v60 =	vsub.f32 v32, v56;
	[tilespmem:s18+$0x6220] =	vst v54;
	v10 =	vadd.f32 v10, v6;
	v12 =	vmul.f32 s28, v59  }
0x1bc: {  	v9 =	vadd.f32 v9, v7;
	[tilespmem:s20+$0x6230] =	vst v11;
	v63 =	vmul.f32 s28, v61;
	v62 =	vmul.f32 v16, v4  }
0x1bd: {  	v13 =	vadd.f32 v57, v5;
	[tilespmem:s20+$0x6210] =	vst v10;
	v11 =	vmul.f32 s28, v60;
	v12 =	vmul.f32 v12, v1  }
0x1be: {  	[tilespmem:s20+$0x6220] =	vst v9;
	v9 =	vmul.f32 v63, v3;
	v10 =	vadd.f32 v62, v8  }
0x1bf: {  	[tilespmem:s20+$0x6200] =	vst v13;
	v11 =	vmul.f32 v11, v2;
	v12 =	vadd.f32 v12, v5  }
.Ltmp4:
0x1c0: {  	v9 =	vadd.f32 v9, v7;
	[tilespmem:s9+$0x6230] =	vst v10;
	(pc) =	sbr.rel @p1 .LBB2_8-.Ltmp4, $4  }
0x1c1: {  	v10 =	vadd.f32 v11, v6;
	[tilespmem:s9+$0x6200] =	vst v12  }
0x1c2: {  	[tilespmem:s9+$0x6220] =	vst v9  }
0x1c3: {  	s31 =	simm.s32 $0x6200;
	s30 =	simm.s32 $0x180;
	s29 =	rddreg [dreg:$0x3];
	[tilespmem:s9+$0x6210] =	vst v10  }
0x1c4: {  	[hbm4b:s29+s19] =	stream.indirect.scatter [tilespmem:s31], [sflag:$0x4], $0x40, s30, s19, $0xb8;
	[tilespmem:$0xB480] =	vst v63  }
0x1c5: {  	s1 =	rddreg [dreg:$0x9]  }
0x1c6: {  	s0 =	sadd.s32 s0, s1  }
0x1c7: {  	s0 =	sshrl.u32 s0, $0x3  }
0x1c8: {  	s29 =	simm.s32 $0x0;
	s0 =	sadd.s32 s7, s0  }
0x1c9: {  	[tilespmem:s19], [sflag:$0x5] =	stream.linear.gather [hbm4b:s0+s29], $0x80, $0x38;
	[tilespmem:$0xB480] =	vst v63  }
.Ltmp5:
0x1ca: {  	s30 =	simm.s32 $0x5;
	(pc) =	sbr.rel .LBB2_2-.Ltmp5, $4  }
0x1cb: {  	_ =	swait.ge [sflag:s30], $0x80  }
0x1cc: {  	[sflag:s30] =	ssyncset.done $0x0  }
0x1cd: {  	s31 =	simm.s32 $0x2200;
	s2 =	sadd.s32 $0x1, s2;
	[sflag:s30] =	ssyncadd.s32 $0xFFFFFF80  }
0x1ce: {  	[tilespmem:s31], [sflag:$0x2] =	stream.indirect.gather [hbm4b:s8+s19], $0x40, s19, s19, $0xb8;
	[tilespmem:$0xB480] =	vst v63  }
.LBB2_9:
0x1cf: {  	_ =	sfence.sel $0x180000  }
0x1d0: {  	[bflag:$0x0] =	sbarrier.arrive $0xFFFF  }
0x1d1: {  	_ =	strace $0x9000004A  }
0x1d2: {  	s0 =	stileid.u32;
	[bflag:$0x2] =	sbarrier.arrive $0xFFFF  }
0x1d3: {  	p0 =	sne.s32 s0, $0x0;
	s0 =	rddreg [dreg:$0x4]  }
0x1d4: {  	s0 =	sadd.s32 @!p0 $0x100000, s0  }
0x1d5: {  	[sflag:s0] =	ssyncadd.tile.s32 @!p0 $0x1;
	_ =	shalt  }
.Lfunc_end2:
_tile_overlayer_lowered:
.L_overlay_start_2:
0x1d6: {  	(tag) =	ssettag $0x2  }
0x1d7: {  	s0 =	rddreg [dreg:$0x0];
	s2 =	stileid.u32  }
0x1d8: {  	s1 =	rddreg [dreg:$0x1];
	p0 =	sne.s32 s2, $0x0  }
0x1d9: {  	s3 =	rddreg [dreg:$0x2];
	[bflag:$0x3] =	sbarrier.arrive $0xFFFF;
	s2 =	simm.s32 @!p0 $0x1C05  }
0x1da: {  	[timem:s3], [sflag:s2] =	dma.local @!p0 [hbm:s0], s1  }
0x1db: {  	s0 =	simm.s32 @!p0 $0x5  }
0x1dc: {  	_ =	swait.ge @!p0 [sflag:s0], s1  }
0x1dd: {  	s1 =	ssub.s32 @!p0 $0x0, s1;
	[sflag:s0] =	ssyncset.done @!p0 $0x0  }
0x1de: {  	[sflag:s0] =	ssyncadd.s32 @!p0 s1  }
0x1df: {  	[bflag:$0x3] =	sbarrier.arrive $0xFFFF  }
0x1e0: {  	_ =	shalt  }

// kernel: sparse-core-data-format-call.1.cloned.1.call-start
scs
called_computation.1_lowered:
.L_overlay_start_0:
0x0: {  	s2 =	sld [smem:$0x3FD9]  }
0x1: {  	s3 =	sld [smem:$0x3FFE];
	_ =	sdelay $0x1  }
0x2: {  	s1 =	srdreg.scid  }
0x3: {  	s0 =	sand.u32 $0x1, s1  }
0x4: {  	s18 =	sshll.u32 s0, $0xA;
	s2 =	sadd.s32 s3, s2  }
0x5: {  	s2 =	sadd.s32 s2, s18  }
0x6: {  	[smem:$0x3FC3] =	sst s2  }
0x7: {  	_ = 	snop  }
0x8: {  	s2 =	sld [smem:$0x3FC8];
	(tm) =	ssettm $0x1  }
0x9: {  	s19 =	sld [smem:$0x3FFB];
	_ =	sdelay $0x3  }
0xa: {  	_ =	strace s19  }
0xb: {  	s3 =	sld [smem:$0x3FFC];
	_ =	sdelay $0x3  }
0xc: {  	_ =	strace s3  }
0xd: {  	s3 =	sld [smem:$0x3FFD];
	_ =	sdelay $0x3  }
0xe: {  	_ =	strace s3  }
0xf: {  	_ =	strace $0x8FFFFFFF  }
0x10: {  	s20 =	sld [smem:$0x3FDB];
	_ =	sdelay $0x1  }
0x11: {  	s4 =	simm.s32 $_scs_section_size  }
0x12: {  	s5 =	simm.s32 $_size__tile_overlayer_lowered;
	s6 =	simm.s32 $_tile_overlayer_lowered  }
0x13: {  	s23 =	simm.s32 $0x1BFF;
	s22 =	sshll.u32 s6, $0x1;
	s3 =	sadd.s32 s4, s20  }
0x14: {  	s7 =	simm.s32 $0x0;
	s21 =	sshll.u32 s5, $0x1;
	s5 =	sadd.s32 s22, s3  }
0x15: {  	[timem:s7], [sflag:s23] =	dma.local [hbm:s5], s21  }
0x16: {  	_ =	swait.ge [sflag:s23], s21  }
0x17: {  	s4 =	ssub.s32 $0x0, s21;
	[sflag:s23] =	ssyncset.done $0x0  }
0x18: {  	[sflag:s23] =	ssyncadd.s32 s4;
	_ =	sdelay $0x1  }
0x19: {  	s24 =	simm.s32 $0x1B8B  }
0x1a: {  	_ =	swait.ge [sflag:s24], $0x1  }
0x1b: {  	[sflag:s24] =	ssyncset.done $0x0  }
0x1c: {  	s26 =	simm.s32 $0x1B8E;
	s25 =	sld [smem:$0x3FFE];
	[sflag:s24] =	ssyncadd.s32 $0xFFFFFFFF  }
0x1d: {  	s27 =	simm.s32 $execute0_lowered;
	[smem:$0x3FD2] =	sst s26  }
0x1e: {  	s5 =	sshll.u32 s27, $0x1;
	_ =	strace $0x80000046;
	[dreg:$0x1] =	wrdreg $0xFFFFFFFF  }
0x1f: {  	s28 =	simm.s32 $_size_execute0_lowered;
	s3 =	sadd.s32 s3, s5;
	[dreg:$0x0] =	wrdreg $0x0  }
0x20: {  	s5 =	sshll.u32 s28, $0x1;
	[dreg:$0x2] =	wrdreg s3  }
0x21: {  	[dreg:$0x3] =	wrdreg s5  }
0x22: {  	[dreg:$0x4] =	wrdreg $0xC0  }
0x23: {  	_ =	task [dreg:s7], $0x5FFFF  }
0x24: {  	[dreg:$0x1] =	wrdreg $0xFFFFFFFF  }
0x25: {  	[dreg:$0x0] =	wrdreg $0x60  }
0x26: {  	[dreg:$0x2] =	wrdreg s2  }
0x27: {  	[dreg:$0x3] =	wrdreg s25  }
0x28: {  	[dreg:$0x4] =	wrdreg $0x9  }
0x29: {  	_ =	task.clear_ibuf [dreg:s7], $0x5FFFF;
	_ =	strace $0x90000046  }
0x2a: {  	s29 =	simm.s32 $0x9;
	_ =	strace $0x80000048  }
0x2b: {  	_ =	swait.ge [sflag:s29], $0x1  }
0x2c: {  	[sflag:s29] =	ssyncadd.s32 $0xFFFFFFFF  }
0x2d: {  	_ =	strace $0x90000048  }
0x2e: {  	_ =	sfence  }
0x2f: {  	s30 =	sld [smem:$0x0];
	_ =	sdelay $0x2  }
0x30: {  	s31 =	sshll.u32 s1, $0xD;
	s1 =	sshrl.u32 s1, $0x2  }
0x31: {  	s3 =	sand.u32 $0x4000, s31;
	s1 =	sadd.s32 s1, s30  }
0x32: {  	s0 =	sor.u32 s3, s0;
	s1 =	sshll.u32 s1, $0x11  }
0x33: {  	s0 =	sor.u32 s1, s0  }
0x34: {  	s0 =	sadd.s32 $0x8F2B, s0  }
0x35: {  	[sflag:s0] =	ssyncadd.remote.s32 $0x1  }
0x36: {  	_ =	sfence.sel $0xFFFF  }
0x37: {  	[dreg:$0x0] =	wrdreg $0xFFFFFFFF;
	(pc) =	sbr.abs _section_cstart, $3  }
0x38: {  	[dreg:$0x1] =	wrdreg $0xFFFFFFFF  }
0x39: {  	_ =	task.clear_ibuf [dreg:s7], $0x2FFFF;
	_ =	strace $0x9FFFFFFF  }
0x3a: {  	(tm) =	ssettm $0x7FFFFFFF  }
0x3b: {  	_ =	shalt  }
tec
execute0_lowered:
.L_overlay_start_1:
0x0: {  	(tag) =	ssettag $0x1  }
0x1: {  	s0 =	srdreg.scid;
	s2 =	rddreg [dreg:$0x0]  }
0x2: {  	s5 =	rddreg [dreg:$0x1];
	s1 =	stileid.u32  }
0x3: {  	s4 =	simm.s32 $0x1;
	s6 =	simm.s32 $0x2;
	s15 =	simm.s32 $0x0  }
0x4: {  	p0 =	por $0x0, $0x0;
	s8 =	simm.s32 $0x80;
	s0 =	sshll.u32 s0, $0x4  }
0x5: {  	s14 =	simm.s32 $0x0;
	s9 =	simm.s32 $0x0;
	s3 =	sand.u32 $0x10, s0  }
.Ltmp0:
0x6: {  	s10 =	simm.s32 $0x0;
	s3 =	sor.u32 s1, s3;
	(pc) =	sbr.rel .LBB1_1-.Ltmp0, $4  }
0x7: {  	s0 =	rddreg [dreg:$0x2];
	_ =	strace $0x80000047;
	s3 =	sshll.u32 s3, $0x7  }
0x8: {  	s12 =	simm.s32 $0x0;
	[sflag:s4] =	ssyncpa.u1 $0x0;
	s7 =	ssub.s32 $0xF4200, s3  }
0x9: {  	s13 =	simm.s32 $0x0;
	[sflag:s6] =	ssyncpa.u1 $0x0;
	s6 =	sshrl.u32 s7, $0xC  }
0xa: {  	s5 =	sadd.s32 $0x1000, s5;
	s11 =	smov.u32 s3;
	s7 =	sadd.s32 $0x2, s6  }
.LBB1_5:
0xb: {  	p1 =	slt.u32 s13, $0x2  }
0xc: {  	s17 =	smov.u32 s15;
	p2 =	sgt.s32 @!p1 s15, $0xF41C0;
	s16 =	sshra.s32 @!p1 s15, $0x1F  }
0xd: {  	p3 =	sgt.s32 @!p1 s14, $0x40;
	s18 =	sshra.s32 @!p1 s14, $0x1F;
	p2 =	por !p2, p1  }
0xe: {  	s15 =	sand.u32 @!p1 s16, s15;
	p3 =	por !p3, p1;
	s16 =	smov.u32 s14  }
0xf: {  	s14 =	sand.u32 @!p1 s18, s14;
	s17 =	simm.s32 @p2 $0xF41C0;
	s16 =	simm.s32 @p3 $0x40  }
0x10: {  	s15 =	ssub.s32 @!p1 s17, s15;
	s14 =	ssub.s32 @!p1 s16, s14  }
0x11: {  	s18 =	smov.u32 s12;
	s16 =	sadd.s32 @!p1 $0xFFF0BE40, s15;
	s17 =	sadd.s32 @!p1 $0xFFFFFFC0, s14  }
0x12: {  	s15 =	ssub.s32 @!p1 $0xF4240, s15;
	p2 =	sgt.s32 @!p1 s16, $0x7F;
	p3 =	sgt.s32 @!p1 s17, $0x3F  }
0x13: {  	s14 =	ssub.s32 @!p1 $0x80, s14;
	p2 =	por !p2, p1;
	p3 =	por !p3, p1  }
0x14: {  	s16 =	sadd.s32 $0x1000, s11;
	s15 =	simm.s32 @!p2 $0x0;
	s14 =	simm.s32 @!p3 $0x0  }
0x15: {  	p2 =	sgt.s32 s16, $0xF423F;
	s14 =	smul.u32 @!p1 s14, s15;
	s15 =	sadd.s32 $0x40, s12  }
0x16: {  	s18 =	smov.u32 @p2 s15  }
0x17: {  	s16 =	smov.u32 @p2 s3;
	p2 =	sgt.s32 s18, $0x3F  }
0x18: {  	s18 =	simm.s32 @p2 $0x0;
	p2 =	sne.s32 s13, s7  }
.Ltmp1:
0x19: {  	p0 =	por !p0, !p0;
	s17 =	simm.s32 @!p1 $0x2;
	(pc) =	sbr.rel @!p2 .LBB1_6-.Ltmp1, $4  }
0x1a: {  	s15 =	smov.u32 s9;
	s9 =	smov.u32 s11;
	s14 =	sand.u32 @!p1 $0x3FFFFFFF, s14  }
0x1b: {  	s11 =	smov.u32 s16;
	_ =	swait.ge @!p1 [sflag:s17], s14;
	s19 =	ssub.s32 @!p1 $0x0, s14  }
0x1c: {  	s14 =	smov.u32 s10;
	s13 =	sadd.s32 $0x1, s13;
	[sflag:s17] =	ssyncset.done @!p1 $0x0  }
0x1d: {  	s10 =	smov.u32 s12;
	s12 =	smov.u32 s18;
	[sflag:s17] =	ssyncadd.s32 @!p1 s19  }
.LBB1_1:
0x1e: {  	p1 =	sgt.u32 s13, s6  }
0x1f: {  	s16 =	sshrl.u32 @!p1 s12, $0x3  }
0x20: {  	s17 =	sshll.u32 @!p1 s11, $0x3;
	s16 =	smul.u32 @!p1 $0x7A1400, s16  }
0x21: {  	s18 =	sshll.u32 @!p1 s12, $0x7;
	s17 =	sand.u32 @!p1 $0xFFFFFC00, s17  }
0x22: {  	s16 =	sadd.s32 @!p1 s16, s17;
	s17 =	sand.u32 @!p1 $0x380, s18  }
0x23: {  	s18 =	sand.u32 @!p1 $0x7F, s11;
	s16 =	sor.u32 @!p1 s17, s16  }
0x24: {  	s17 =	sor.u32 @!p1 s18, s16  }
0x25: {  	s18 =	smulhi.u32 @!p1 $0x218D6287, s17;
	_ =	sdelay $0x1  }
0x26: {  	s16 =	smulhi.u32 @!p1 $0x218D6287, s16;
	s18 =	sshrl.u32 @!p1 s18, $0x11  }
0x27: {  	s18 =	smul.u32 @!p1 $0xF4280, s18  }
0x28: {  	s19 =	sxor.u32 @!p1 $0xFFFFFFFF, s13;
	s16 =	sshrl.u32 @!p1 s16, $0x11  }
0x29: {  	s19 =	sshll.u32 @!p1 s19, $0xD;
	s16 =	sand.u32 @!p1 $0x3F, s16;
	s17 =	ssub.s32 @!p1 s17, s18  }
0x2a: {  	s16 =	smul.u32 @!p1 $0x1E850, s16;
	s18 =	sshrl.u32 @!p1 s17, $0x3;
	s17 =	sand.u32 @!p1 $0x7, s17  }
0x2b: {  	s19 =	sand.u32 @!p1 $0x2000, s19;
	s18 =	sadd.s32 @!p1 s2, s18;
	s17 =	sshll.u32 @!p1 s17, $0x12  }
0x2c: {  	s16 =	sadd.s32 @!p1 s16, s18;
	s17 =	sor.u32 @!p1 $0x400, s17;
	s18 =	simm.s32 @!p1 $0x7A1400  }
0x2d: {  	[tilespmem:s19], [sflag:$0x1] =	stream.strided.gather @!p1 [hbm4b:s16+s17], $0x2000, s18, s17, $0x38;
	[tilespmem:$0x8100] =	vst v63  }
0x2e: {  	p1 =	seq.s32 s13, $0x0  }
0x2f: {  	p2 =	sge.u32 @!p1 s13, s7  }
0x30: {  	p1 =	por p1, p2  }
.Ltmp2:
0x31: {  	_ = 	snop;
	(pc) =	sbr.rel @p1 .LBB1_5-.Ltmp2, $1  }
0x32: {  	_ =	sdelay $0x3  }
0x33: {  	s16 =	simm.s32 $0x1  }
0x34: {  	_ =	swait.ge [sflag:s4], $0x2000;
	s16 =	simm.s32 @!p0 $0x0  }
0x35: {  	[sflag:s4] =	ssyncset.done $0x0;
	s17 =	sshll.u32 s16, $0xD  }
0x36: {  	[sflag:s4] =	ssyncadd.s32 $0xFFFFE000;
	s17 =	sor.u32 $0x40, s17  }
0x37: {  	s16 =	smul.u32 $0x8200, s16;
	v0 =	vld [tilespmem:s17+$0x30]  }
0x38: {  	v1 =	vld [tilespmem:s17+$0xFFFFFFD0]  }
0x39: {  	s16 =	sshrl.u32 s16, $0x2;
	v5 =	vld [tilespmem:s17+$0xFFFFFFE0]  }
0x3a: {  	v6 =	vld [tilespmem:s17+$0xFFFFFFF0];
	s19 =	sor.u32 $0x4000, s16  }
0x3b: {  	s31 =	sand.u32 $0x1, s13;
	v4 =	vld [tilespmem:s17+$0x0];
	s18 =	sadd.s32 $0x0, s19  }
0x3c: {  	v3 =	vld [tilespmem:s17+$0x10];
	s16 =	smul.u32 $0x8200, s31;
	[tilespmem:s18+$0x1C70 ss:$0x41] =	vst.msk $0xffff, v0  }
0x3d: {  	v2 =	vld [tilespmem:s17+$0x20];
	[tilespmem:s18+$0x410 ss:$0x41] =	vst.msk $0xffff, v1  }
0x3e: {  	s16 =	sshrl.u32 s16, $0x2;
	v1 =	vld [tilespmem:s17+$0xFFFFFFC0];
	[tilespmem:s18+$0x820 ss:$0x41] =	vst.msk $0xffff, v5;
	s17 =	sadd.s32 $0x80, s17  }
0x3f: {  	s20 =	simm.s32 $0x4;
	s21 =	simm.s32 $0x8;
	s16 =	sor.u32 $0x4000, s16;
	[tilespmem:s18+$0xC30 ss:$0x41] =	vst.msk $0xffff, v6;
	v0 =	vld [tilespmem:s17+$0x30]  }
.LBB1_3:
0x40: {  	p1 =	sne.s32 s21, $0xFC;
	v5 =	vld [tilespmem:s17+$0xFFFFFFD0];
	[tilespmem:s18+$0x1040 ss:$0x41] =	vst.msk $0xffff, v4  }
0x41: {  	v6 =	vld [tilespmem:s17+$0xFFFFFFE0];
	[tilespmem:s18+$0x1450 ss:$0x41] =	vst.msk $0xffff, v3  }
0x42: {  	s22 =	sshra.s32 s20, $0x2;
	s20 =	smov.u32 s21;
	v7 =	vld [tilespmem:s17+$0xFFFFFFF0];
	[tilespmem:s18+$0x1860 ss:$0x41] =	vst.msk $0xffff, v2  }
.Ltmp3:
0x43: {  	v4 =	vld [tilespmem:s17+$0x0];
	[tilespmem:s18+$0x0 ss:$0x41] =	vst.msk $0xffff, v1;
	s18 =	sadd.s32 s22, s19;
	(pc) =	sbr.rel @p1 .LBB1_3-.Ltmp3, $4  }
0x44: {  	v3 =	vld [tilespmem:s17+$0x10];
	[tilespmem:s18+$0x1C70 ss:$0x41] =	vst.msk $0xffff, v0  }
0x45: {  	[tilespmem:s18+$0x410 ss:$0x41] =	vst.msk $0xffff, v5;
	v2 =	vld [tilespmem:s17+$0x20]  }
0x46: {  	v1 =	vld [tilespmem:s17+$0xFFFFFFC0];
	[tilespmem:s18+$0x820 ss:$0x41] =	vst.msk $0xffff, v6;
	s17 =	sadd.s32 $0x80, s17  }
0x47: {  	s21 =	sadd.s32 $0x4, s21;
	v0 =	vld [tilespmem:s17+$0x30];
	[tilespmem:s18+$0xC30 ss:$0x41] =	vst.msk $0xffff, v7  }
0x48: {  	s21 =	sshll.u32 s9, $0x7;
	s22 =	sshll.u32 s10, $0x3;
	s20 =	sshra.s32 s20, $0x2  }
0x49: {  	p1 =	sgt.s32 s9, $0xF41C0;
	s30 =	sshra.s32 s9, $0x1F;
	s25 =	sshra.s32 s10, $0x1F  }
0x4a: {  	v5 =	vld [tilespmem:s17+$0xFFFFFFD0];
	s28 =	sshrl.u32 s10, $0x3;
	s23 =	sand.u32 $0xFFFFFC00, s21;
	s22 =	sand.u32 $0xFFFFFC00, s22  }
0x4b: {  	[tilespmem:s18+$0x1040 ss:$0x41] =	vst.msk $0xffff, v4;
	v58 =	vld [tilespmem:s17+$0xFFFFFFE0];
	s21 =	sand.u32 $0x380, s21;
	s19 =	sadd.s32 s20, s19;
	s22 =	sadd.s32 s22, s23  }
0x4c: {  	v59 =	vld [tilespmem:s17+$0xFFFFFFF0];
	[tilespmem:s18+$0x1450 ss:$0x41] =	vst.msk $0xffff, v3;
	s29 =	sor.u32 s21, s22;
	s21 =	smov.u32 s9;
	s22 =	sand.u32 s30, s9  }
0x4d: {  	v60 =	vld [tilespmem:s17+$0x0];
	[tilespmem:s18+$0x1860 ss:$0x41] =	vst.msk $0xffff, v2;
	s30 =	sand.u32 $0x7, s10;
	s20 =	sshrl.u32 s29, $0x7;
	s21 =	simm.s32 @!p1 $0xF41C0  }
0x4e: {  	v61 =	vld [tilespmem:s17+$0x10];
	[tilespmem:s18+$0x0 ss:$0x41] =	vst.msk $0xffff, v1;
	p1 =	sgt.s32 s10, $0x40;
	s24 =	ssub.s32 s21, s22;
	s21 =	smov.u32 s10  }
0x4f: {  	v62 =	vld [tilespmem:s17+$0x20];
	[tilespmem:s19+$0x1C70 ss:$0x41] =	vst.msk $0xffff, v0;
	s31 =	smulhi.u32 $0x218DEF5, s20;
	s22 =	sand.u32 s25, s10;
	s21 =	simm.s32 @!p1 $0x40  }
0x50: {  	v63 =	vld [tilespmem:s17+$0xFFFFFFC0];
	[tilespmem:s19+$0x410 ss:$0x41] =	vst.msk $0xffff, v5;
	s26 =	sadd.s32 $0xFFF0BE40, s24;
	s17 =	ssub.s32 $0xF4240, s24;
	s21 =	ssub.s32 s21, s22  }
0x51: {  	[tilespmem:s19+$0x820 ss:$0x41] =	vst.msk $0xffff, v58;
	s23 =	sshrl.u32 s31, $0xD;
	p1 =	sgt.s32 s26, $0x7F;
	s27 =	sadd.s32 $0xFFFFFFC0, s21  }
0x52: {  	[tilespmem:s19+$0xC30 ss:$0x41] =	vst.msk $0xffff, v59;
	s23 =	smul.u32 $0xF4240, s23;
	s18 =	ssub.s32 $0x80, s21;
	p2 =	sgt.s32 s27, $0x3F  }
.Ltmp4:
0x53: {  	[tilespmem:s19+$0x1040 ss:$0x41] =	vst.msk $0xffff, v60;
	s17 =	simm.s32 @p1 $0x0;
	s18 =	simm.s32 @p2 $0x0;
	(pc) =	sbr.rel .LBB1_5-.Ltmp4, $4  }
0x54: {  	s29 =	sand.u32 $0xF, s28;
	[tilespmem:s19+$0x1450 ss:$0x41] =	vst.msk $0xffff, v61;
	s20 =	ssub.s32 s20, s23;
	s17 =	smul.u32 s18, s17  }
0x55: {  	[tilespmem:s19+$0x1860 ss:$0x41] =	vst.msk $0xffff, v62;
	s21 =	sshll.u32 s30, $0x12;
	s20 =	sshll.u32 s20, $0x4;
	s18 =	sadd.s32 s5, s29  }
0x56: {  	[tilespmem:s19+$0x0 ss:$0x41] =	vst.msk $0xffff, v63;
	s31 =	sor.u32 $0x40, s21;
	s18 =	sadd.s32 s20, s18;
	s17 =	sand.u32 $0x3FFFFFFF, s17  }
0x57: {  	[hbm4b:s18+s31] =	stream.strided.scatter [tilespmem:s16], [sflag:$0x2], s17, s8, s31, $0x18;
	[tilespmem:$0x8100] =	vst v63  }
.LBB1_6:
0x58: {  	_ =	sfence.sel $0x180000  }
0x59: {  	s2 =	simm.s32 $0x1;
	[bflag:$0x0] =	sbarrier.arrive $0xFFFF  }
0x5a: {  	s31 =	simm.s32 $0x2;
	[sflag:s2] =	ssyncpa.u1 $0x1  }
0x5b: {  	[sflag:s31] =	ssyncpa.u1 $0x1  }
0x5c: {  	p0 =	sne.s32 s1, $0x0;
	_ =	strace $0x90000047  }
0x5d: {  	s0 =	sadd.s32 @!p0 $0x100000, s0;
	[bflag:$0x2] =	sbarrier.arrive $0xFFFF  }
0x5e: {  	[sflag:s0] =	ssyncadd.tile.s32 @!p0 $0x1;
	_ =	shalt  }
.Lfunc_end1:
_tile_overlayer_lowered:
.L_overlay_start_2:
0x5f: {  	(tag) =	ssettag $0x2  }
0x60: {  	s0 =	rddreg [dreg:$0x0];
	s2 =	stileid.u32  }
0x61: {  	s1 =	rddreg [dreg:$0x1];
	p0 =	sne.s32 s2, $0x0  }
0x62: {  	s3 =	rddreg [dreg:$0x2];
	[bflag:$0x3] =	sbarrier.arrive $0xFFFF;
	s2 =	simm.s32 @!p0 $0x1C01  }
0x63: {  	[timem:s3], [sflag:s2] =	dma.local @!p0 [hbm:s0], s1  }
0x64: {  	s0 =	simm.s32 @!p0 $0x1  }
0x65: {  	_ =	swait.ge @!p0 [sflag:s0], s1  }
0x66: {  	s1 =	ssub.s32 @!p0 $0x0, s1;
	[sflag:s0] =	ssyncset.done @!p0 $0x0  }
0x67: {  	[sflag:s0] =	ssyncadd.s32 @!p0 s1  }
0x68: {  	[bflag:$0x3] =	sbarrier.arrive $0xFFFF  }
0x69: {  	_ =	shalt  }

// kernel: sparse-core-data-format-call.cloned.1.call-start
scs
called_computation_lowered:
.L_overlay_start_0:
0x0: {  	s2 =	sld [smem:$0x3FD9]  }
0x1: {  	s3 =	sld [smem:$0x3FFE];
	_ =	sdelay $0x1  }
0x2: {  	s1 =	srdreg.scid  }
0x3: {  	s0 =	sand.u32 $0x1, s1  }
0x4: {  	s18 =	sshll.u32 s0, $0xA;
	s2 =	sadd.s32 s3, s2  }
0x5: {  	s2 =	sadd.s32 s2, s18  }
0x6: {  	[smem:$0x3FC3] =	sst s2  }
0x7: {  	_ = 	snop  }
0x8: {  	s2 =	sld [smem:$0x3FD0];
	(tm) =	ssettm $0x1  }
0x9: {  	s19 =	sld [smem:$0x3FFB];
	_ =	sdelay $0x3  }
0xa: {  	_ =	strace s19  }
0xb: {  	s3 =	sld [smem:$0x3FFC];
	_ =	sdelay $0x3  }
0xc: {  	_ =	strace s3  }
0xd: {  	s3 =	sld [smem:$0x3FFD];
	_ =	sdelay $0x3  }
0xe: {  	_ =	strace s3  }
0xf: {  	_ =	strace $0x8FFFFFFF  }
0x10: {  	s20 =	sld [smem:$0x3FDB];
	_ =	sdelay $0x1  }
0x11: {  	s4 =	simm.s32 $_scs_section_size  }
0x12: {  	s5 =	simm.s32 $_size__tile_overlayer_lowered;
	s6 =	simm.s32 $_tile_overlayer_lowered  }
0x13: {  	s23 =	simm.s32 $0x1BFF;
	s22 =	sshll.u32 s6, $0x1;
	s3 =	sadd.s32 s4, s20  }
0x14: {  	s7 =	simm.s32 $0x0;
	s21 =	sshll.u32 s5, $0x1;
	s5 =	sadd.s32 s22, s3  }
0x15: {  	[timem:s7], [sflag:s23] =	dma.local [hbm:s5], s21  }
0x16: {  	_ =	swait.ge [sflag:s23], s21  }
0x17: {  	s4 =	ssub.s32 $0x0, s21;
	[sflag:s23] =	ssyncset.done $0x0  }
0x18: {  	[sflag:s23] =	ssyncadd.s32 s4;
	_ =	sdelay $0x1  }
0x19: {  	s24 =	simm.s32 $0x1B8B  }
0x1a: {  	_ =	swait.ge [sflag:s24], $0x1  }
0x1b: {  	[sflag:s24] =	ssyncset.done $0x0  }
0x1c: {  	s26 =	simm.s32 $0x1B8E;
	s25 =	sld [smem:$0x3FFE];
	[sflag:s24] =	ssyncadd.s32 $0xFFFFFFFF  }
0x1d: {  	s27 =	simm.s32 $execute0_lowered;
	[smem:$0x3FD2] =	sst s26  }
0x1e: {  	s5 =	sshll.u32 s27, $0x1;
	_ =	strace $0x8000004C;
	[dreg:$0x1] =	wrdreg $0xFFFFFFFF  }
0x1f: {  	s28 =	simm.s32 $_size_execute0_lowered;
	s3 =	sadd.s32 s3, s5;
	[dreg:$0x0] =	wrdreg $0x0  }
0x20: {  	s5 =	sshll.u32 s28, $0x1;
	[dreg:$0x2] =	wrdreg s3  }
0x21: {  	[dreg:$0x3] =	wrdreg s5  }
0x22: {  	[dreg:$0x4] =	wrdreg $0xC0  }
0x23: {  	_ =	task [dreg:s7], $0x5FFFF  }
0x24: {  	[dreg:$0x1] =	wrdreg $0xFFFFFFFF  }
0x25: {  	[dreg:$0x0] =	wrdreg $0x60  }
0x26: {  	[dreg:$0x2] =	wrdreg s25  }
0x27: {  	[dreg:$0x3] =	wrdreg s2  }
0x28: {  	[dreg:$0x4] =	wrdreg $0x9  }
0x29: {  	_ =	task.clear_ibuf [dreg:s7], $0x5FFFF;
	_ =	strace $0x9000004C  }
0x2a: {  	s29 =	simm.s32 $0x9;
	_ =	strace $0x8000004E  }
0x2b: {  	_ =	swait.ge [sflag:s29], $0x1  }
0x2c: {  	[sflag:s29] =	ssyncadd.s32 $0xFFFFFFFF  }
0x2d: {  	_ =	strace $0x9000004E  }
0x2e: {  	_ =	sfence  }
0x2f: {  	s30 =	sld [smem:$0x0];
	_ =	sdelay $0x2  }
0x30: {  	s31 =	sshll.u32 s1, $0xD;
	s1 =	sshrl.u32 s1, $0x2  }
0x31: {  	s3 =	sand.u32 $0x4000, s31;
	s1 =	sadd.s32 s1, s30  }
0x32: {  	s0 =	sor.u32 s3, s0;
	s1 =	sshll.u32 s1, $0x11  }
0x33: {  	s0 =	sor.u32 s1, s0  }
0x34: {  	s0 =	sadd.s32 $0x8F2B, s0  }
0x35: {  	[sflag:s0] =	ssyncadd.remote.s32 $0x1  }
0x36: {  	_ =	sfence.sel $0xFFFF  }
0x37: {  	[dreg:$0x0] =	wrdreg $0xFFFFFFFF;
	(pc) =	sbr.abs _section_cstart, $3  }
0x38: {  	[dreg:$0x1] =	wrdreg $0xFFFFFFFF  }
0x39: {  	_ =	task.clear_ibuf [dreg:s7], $0x2FFFF;
	_ =	strace $0x9FFFFFFF  }
0x3a: {  	(tm) =	ssettm $0x7FFFFFFF  }
0x3b: {  	_ =	shalt  }
tec
execute0_lowered:
.L_overlay_start_1:
0x0: {  	(tag) =	ssettag $0x1  }
0x1: {  	s0 =	stileid.u32;
	s6 =	rddreg [dreg:$0x0]  }
0x2: {  	s2 =	rddreg [dreg:$0x1];
	s5 =	srdreg.scid  }
0x3: {  	s31 =	simm.s32 $0x2;
	s13 =	simm.s32 $0x0;
	s1 =	sshll.u32 s0, $0x7  }
0x4: {  	s14 =	simm.s32 $0x0;
	s12 =	simm.s32 $0x0;
	s3 =	sand.u32 $0x380, s1  }
0x5: {  	s5 =	sshll.u32 s5, $0x4;
	s6 =	sadd.s32 $0x1000, s6;
	s4 =	ssub.s32 $0x400, s3  }
0x6: {  	s1 =	rddreg [dreg:$0x2];
	_ =	strace $0x8000004D;
	s7 =	sand.u32 $0x380, s4  }
0x7: {  	s5 =	sand.u32 $0x10, s5;
	p0 =	sne.s32 s7, $0x0;
	s7 =	simm.s32 $0x1  }
.Ltmp0:
0x8: {  	s8 =	sshrl.u32 s4, $0xA;
	s7 =	simm.s32 @!p0 $0x0;
	(pc) =	sbr.rel .LBB1_1-.Ltmp0, $4  }
0x9: {  	s9 =	sor.u32 s0, s5;
	s4 =	simm.s32 $0x1;
	s30 =	sadd.s32 s7, s8  }
0xa: {  	s11 =	smov.u32 s3;
	[sflag:s4] =	ssyncpa.u1 $0x0;
	s5 =	smul.u32 $0x32, s30  }
0xb: {  	[sflag:s31] =	ssyncpa.u1 $0x0;
	p0 =	por $0x0, $0x0;
	s7 =	sshrl.u32 s9, $0x3  }
0xc: {  	s9 =	simm.s32 $0x2000;
	s10 =	smov.u32 s7;
	s8 =	sor.u32 $0x1, s5  }
.LBB1_4:
0xd: {  	s17 =	sand.u32 $0x1F80, s14;
	s13 =	sshll.u32 s13, $0xD  }
0xe: {  	[tilespmem:s16+$0x810 ss:$0x81] =	vst.msk $0xffff, v2;
	s18 =	sshrl.u32 s14, $0x3;
	s31 =	sand.u32 $0x7, s14;
	s17 =	sadd.s32 s2, s17  }
0xf: {  	[tilespmem:s16+$0x1020 ss:$0x81] =	vst.msk $0xffff, v0;
	s18 =	sand.u32 $0xF, s18;
	s14 =	sshll.u32 s31, $0x12;
	s13 =	sadd.s32 s13, s17  }
0x10: {  	[tilespmem:s16+$0x0 ss:$0x81] =	vst.msk $0xffff, v1;
	s14 =	sor.u32 $0x400, s14;
	s13 =	sadd.s32 s18, s13  }
0x11: {  	[hbm4b:s13+s14] =	stream.strided.scatter [tilespmem:s15], [sflag:$0x2], $0x2000, s9, s14, $0x20;
	[tilespmem:$0x8080] =	vst v63  }
.LBB1_5:
0x12: {  	s15 =	sadd.s32 $0x4, s10  }
0x13: {  	s13 =	sadd.s32 $0x400, s11;
	s17 =	smov.u32 s11;
	p2 =	sgt.s32 s15, $0xC7  }
0x14: {  	s17 =	smov.u32 @p2 s13  }
0x15: {  	s15 =	smov.u32 @p2 s7;
	p2 =	sgt.s32 s17, $0x3FF  }
0x16: {  	s17 =	smov.u32 @p2 s3;
	p2 =	sne.s32 s12, s8  }
.Ltmp1:
0x17: {  	p1 =	slt.u32 s12, $0x2;
	(pc) =	sbr.rel @!p2 .LBB1_6-.Ltmp1, $4  }
0x18: {  	s16 =	simm.s32 @!p1 $0x2  }
0x19: {  	s14 =	smov.u32 s11;
	p0 =	por !p0, !p0;
	_ =	swait.ge @!p1 [sflag:s16], $0x2000  }
0x1a: {  	s13 =	smov.u32 s10;
	[sflag:s16] =	ssyncset.done @!p1 $0x0;
	s10 =	smov.u32 s15  }
0x1b: {  	s12 =	sadd.s32 $0x1, s12;
	[sflag:s16] =	ssyncadd.s32 @!p1 $0xFFFFE000;
	s11 =	smov.u32 s17  }
.LBB1_1:
0x1c: {  	p1 =	sge.u32 s12, s5  }
0x1d: {  	s15 =	sand.u32 @!p1 $0x1FFFFFF, s10  }
0x1e: {  	s16 =	smulhi.u32 @!p1 $0x147AE15, s15;
	_ =	sdelay $0x1  }
0x1f: {  	s16 =	smul.u32 @!p1 $0xC8, s16  }
0x20: {  	s17 =	sxor.u32 @!p1 $0xFFFFFFFF, s12;
	s18 =	smul.u32 @!p1 $0xC80, s11  }
0x21: {  	s31 =	sadd.s32 $0xFFFFFFFF, s12;
	s17 =	sshll.u32 @!p1 s17, $0xD;
	s15 =	ssub.s32 @!p1 s15, s16  }
0x22: {  	s16 =	sand.u32 @!p1 $0x2000, s17;
	s17 =	sadd.s32 @!p1 s6, s18;
	s15 =	sshll.u32 @!p1 s15, $0x4  }
0x23: {  	s18 =	simm.s32 @!p1 $0x6400;
	s15 =	sadd.s32 @!p1 s15, s17;
	s17 =	simm.s32 @!p1 $0x40  }
0x24: {  	[tilespmem:s16], [sflag:$0x1] =	stream.strided.gather @!p1 [hbm4b:s15+s17], $0x2000, s18, s17, $0x38;
	[tilespmem:$0x8080] =	vst v63  }
0x25: {  	p1 =	sge.u32 s31, s5  }
.Ltmp2:
0x26: {  	_ = 	snop;
	(pc) =	sbr.rel @p1 .LBB1_5-.Ltmp2, $1  }
0x27: {  	_ =	sdelay $0x3  }
0x28: {  	s15 =	simm.s32 $0x1  }
0x29: {  	_ =	swait.ge [sflag:s4], $0x2000;
	s15 =	simm.s32 @!p0 $0x0  }
0x2a: {  	[sflag:s4] =	ssyncset.done $0x0;
	s16 =	sshll.u32 s15, $0xD  }
0x2b: {  	[sflag:s4] =	ssyncadd.s32 $0xFFFFE000;
	s19 =	sor.u32 $0x20, s16  }
0x2c: {  	s15 =	smul.u32 $0x8100, s15;
	v3 =	vld [tilespmem:s19+$0x10]  }
0x2d: {  	s30 =	sand.u32 $0x1, s12;
	v2 =	vld [tilespmem:s19+$0xFFFFFFF0]  }
0x2e: {  	s16 =	smul.u32 $0x8100, s30;
	s15 =	sshrl.u32 s15, $0x2;
	v0 =	vld [tilespmem:s19+$0x0]  }
0x2f: {  	v1 =	vld [tilespmem:s19+$0xFFFFFFE0];
	s17 =	sor.u32 $0x4000, s15  }
0x30: {  	s31 =	sshrl.u32 s16, $0x2;
	s16 =	sadd.s32 $0x0, s17  }
0x31: {  	s18 =	simm.s32 $0x4;
	s19 =	sadd.s32 $0x40, s19;
	s15 =	sor.u32 $0x4000, s31;
	[tilespmem:s16+$0x1830 ss:$0x81] =	vst.msk $0xffff, v3  }
.LBB1_3:
0x32: {  	v3 =	vld [tilespmem:s19+$0x10];
	p1 =	sne.s32 s18, $0x1FC;
	[tilespmem:s16+$0x810 ss:$0x81] =	vst.msk $0xffff, v2;
	s20 =	smov.u32 s18;
	s18 =	sadd.s32 $0x4, s18  }
.Ltmp3:
0x33: {  	v2 =	vld [tilespmem:s19+$0xFFFFFFF0];
	[tilespmem:s16+$0x1020 ss:$0x81] =	vst.msk $0xffff, v0;
	(pc) =	sbr.rel @p1 .LBB1_3-.Ltmp3, $4  }
0x34: {  	v0 =	vld [tilespmem:s19+$0x0];
	[tilespmem:s16+$0x0 ss:$0x81] =	vst.msk $0xffff, v1  }
0x35: {  	s16 =	sshra.s32 s20, $0x2;
	v1 =	vld [tilespmem:s19+$0xFFFFFFE0]  }
0x36: {  	s16 =	sadd.s32 s16, s17  }
0x37: {  	s19 =	sadd.s32 $0x40, s19;
	[tilespmem:s16+$0x1830 ss:$0x81] =	vst.msk $0xffff, v3  }
.Ltmp4:
0x38: {  	_ = 	snop;
	(pc) =	sbr.rel .LBB1_4-.Ltmp4, $1  }
0x39: {  	_ =	sdelay $0x3  }
.LBB1_6:
0x3a: {  	_ =	sfence.sel $0x180000  }
0x3b: {  	s2 =	simm.s32 $0x1;
	[bflag:$0x0] =	sbarrier.arrive $0xFFFF  }
0x3c: {  	s31 =	simm.s32 $0x2;
	[sflag:s2] =	ssyncpa.u1 $0x1  }
0x3d: {  	[sflag:s31] =	ssyncpa.u1 $0x1  }
0x3e: {  	p0 =	sne.s32 s0, $0x0;
	_ =	strace $0x9000004D  }
0x3f: {  	s0 =	sadd.s32 @!p0 $0x100000, s1;
	[bflag:$0x2] =	sbarrier.arrive $0xFFFF  }
0x40: {  	[sflag:s0] =	ssyncadd.tile.s32 @!p0 $0x1;
	_ =	shalt  }
.Lfunc_end1:
_tile_overlayer_lowered:
.L_overlay_start_2:
0x41: {  	(tag) =	ssettag $0x2  }
0x42: {  	s0 =	rddreg [dreg:$0x0];
	s2 =	stileid.u32  }
0x43: {  	s1 =	rddreg [dreg:$0x1];
	p0 =	sne.s32 s2, $0x0  }
0x44: {  	s3 =	rddreg [dreg:$0x2];
	[bflag:$0x3] =	sbarrier.arrive $0xFFFF;
	s2 =	simm.s32 @!p0 $0x1C01  }
0x45: {  	[timem:s3], [sflag:s2] =	dma.local @!p0 [hbm:s0], s1  }
0x46: {  	s0 =	simm.s32 @!p0 $0x1  }
0x47: {  	_ =	swait.ge @!p0 [sflag:s0], s1  }
0x48: {  	s1 =	ssub.s32 @!p0 $0x0, s1;
	[sflag:s0] =	ssyncset.done @!p0 $0x0  }
0x49: {  	[sflag:s0] =	ssyncadd.s32 @!p0 s1  }
0x4a: {  	[bflag:$0x3] =	sbarrier.arrive $0xFFFF  }
0x4b: {  	_ =	shalt  }

</sc_bundles>
